<compile_context>
chip_gen: v7x
topology: tpu7x:2x2x1
jax: 0.10.2.dev20260603
libtpu: 0.0.44.dev20260713+nightly
codegen_flags: <defaults>
</compile_context>

<pallas_src>
import functools

import jax
import jax.numpy as jnp
from jax import lax
from jax.experimental import pallas as pl
from jax.experimental.pallas import tpu as pltpu
from jax.experimental.pallas import tpu_sc as plsc

_NW = 32
_CH = 16
_NBUF = 6
_K = 4


@functools.lru_cache(maxsize=None)
def _make_emb(n_total: int, d_model: int):
    per_w = n_total // _NW
    nch = per_w // _CH
    assert nch >= 2 * _NBUF
    mesh = plsc.VectorSubcoreMesh(core_axis_name="c", subcore_axis_name="s")

    @functools.partial(
        pl.kernel,
        out_type=jax.ShapeDtypeStruct((n_total, d_model), jnp.float32),
        mesh=mesh,
        scratch_types=[
            pltpu.VMEM((nch, _CH), jnp.int32),
            pltpu.VMEM((_NBUF, _CH, d_model), jnp.float32),
        ]
        + [pltpu.SemaphoreType.DMA] * (2 * _NBUF),
    )
    def emb(idx_hbm, table_hbm, out_hbm, idx_v, buf, *sems):
        gs, ss = sems[:_NBUF], sems[_NBUF:]
        wid = lax.axis_index("s") * 2 + lax.axis_index("c")
        base = wid * per_w
        pltpu.sync_copy(idx_hbm.at[wid], idx_v)

        def gather(j, b):
            pltpu.async_copy(table_hbm.at[idx_v.at[j]], buf.at[b], gs[b])

        def wait_gather(b):
            pltpu.make_async_copy(
                table_hbm.at[idx_v.at[0]], buf.at[b], gs[b]).wait()

        def scatter(j, b):
            pltpu.async_copy(
                buf.at[b], out_hbm.at[pl.ds(base + j * _CH, _CH)], ss[b])

        def wait_scatter(b):
            pltpu.make_async_copy(
                buf.at[b], out_hbm.at[pl.ds(base, _CH)], ss[b]).wait()

        def step(j, b, fresh):
            bg = (b + _K) % _NBUF
            if not fresh:
                wait_scatter(bg)
            gather(j + _K, bg)
            wait_gather(b)
            scatter(j, b)

        for j in range(_K):
            gather(j, j)
        for j in range(_NBUF - _K):
            step(j, j, fresh=True)

        steady = nch - _NBUF
        main = (steady // _NBUF) * _NBUF

        def body(i, carry):
            j0 = (_NBUF - _K) + _NBUF * i
            for u in range(_NBUF):
                step(j0 + u, (_NBUF - _K + u) % _NBUF, fresh=False)
            return carry

        lax.fori_loop(0, main // _NBUF, body, 0)

        for r in range(steady - main):
            j = (_NBUF - _K) + main + r
            step(j, j % _NBUF, fresh=False)
        for j in range(nch - _K, nch):
            wait_gather(j % _NBUF)
            scatter(j, j % _NBUF)
        for b in range(_NBUF):
            wait_scatter(b)

    return emb


def kernel(x, table):
    n = x.size
    d = table.shape[1]
    idx = x.reshape(_NW, n // _NW // _CH, _CH).astype(jnp.int32)
    out = _make_emb(n, d)(idx, table)
    return out.reshape(x.shape + (d,))

# --- scband reference (transcript-rebuilt; emitter-appended) ---
"""Pipeline reference for scband-transformer-embedding-41961830482109 (READ-ONLY COPY).

The authoritative reference and input builder live on the scoring server;
editing this copy changes nothing except your own understanding.
"""

import jax, jax.numpy as jnp
import numpy as np

VOCAB = 100000
D_MODEL = 1024
BATCH = 4
SEQ = 4096

def setup_inputs(seed: int = 0) -> dict:
    key = jax.random.key(seed)
    k_idx, k_tab = jax.random.split(key)
    x = jax.random.randint(k_idx, (BATCH, SEQ), 0, VOCAB, dtype=jnp.int64 if jax.config.read('jax_enable_x64') else jnp.int32)
    table = jax.random.normal(k_tab, (VOCAB, D_MODEL), dtype=jnp.float32) * (1.0 / np.sqrt(D_MODEL))
    return {"x": x, "table": table}

def reference(x, table):
    # TransformerEmbedding with token_embed = nn.Embedding(VOCAB, D_MODEL), pos_embed=None.
    # nn.Sequential of a single embedding: out = table[x]
    out = jnp.take(table, x, axis=0)
    return out

if __name__ == "__main__":
    import jax
    _d = setup_inputs()
    print(jax.jit(kernel)(*tuple(_d.values())))

</pallas_src>

<mosaic_0001>
#map = affine_map<(d0, d1) -> (0, 0, 0)>
#map1 = affine_map<(d0, d1) -> (0, 0)>
module attributes {stable_mosaic.version = 14 : i64} {
  func.func @emb(%arg0: i32, %arg1: i32, %arg2: memref<32x32x16xi32, #tpu.memory_space<hbm>>, %arg3: memref<100000x1024xf32, #tpu.memory_space<hbm>>, %arg4: memref<16384x1024xf32, #tpu.memory_space<hbm>>, %arg5: memref<32x16xi32, #tpu.memory_space<vmem>>, %arg6: memref<6x16x1024xf32, #tpu.memory_space<vmem>>, %arg7: memref<!tpu.dma_semaphore, #tpu.memory_space<semaphore_mem>>, %arg8: memref<!tpu.dma_semaphore, #tpu.memory_space<semaphore_mem>>, %arg9: memref<!tpu.dma_semaphore, #tpu.memory_space<semaphore_mem>>, %arg10: memref<!tpu.dma_semaphore, #tpu.memory_space<semaphore_mem>>, %arg11: memref<!tpu.dma_semaphore, #tpu.memory_space<semaphore_mem>>, %arg12: memref<!tpu.dma_semaphore, #tpu.memory_space<semaphore_mem>>, %arg13: memref<!tpu.dma_semaphore, #tpu.memory_space<semaphore_mem>>, %arg14: memref<!tpu.dma_semaphore, #tpu.memory_space<semaphore_mem>>, %arg15: memref<!tpu.dma_semaphore, #tpu.memory_space<semaphore_mem>>, %arg16: memref<!tpu.dma_semaphore, #tpu.memory_space<semaphore_mem>>, %arg17: memref<!tpu.dma_semaphore, #tpu.memory_space<semaphore_mem>>, %arg18: memref<!tpu.dma_semaphore, #tpu.memory_space<semaphore_mem>>) attributes {dimension_semantics = [#tpu.dimension_semantics<core_parallel>, #tpu.dimension_semantics<subcore_parallel>], iteration_bounds = array<i64: 2, 16>, scalar_prefetch = 0 : i64, scratch_operands = 14 : i64, tpu.core_type = #tpu.core_type<sc_vector_subcore>, window_params = [{transform_indices = #map}, {transform_indices = #map1}, {transform_indices = #map1}]} {
    %mul3A = arith.constant 2 : i32
    %mul3A_0 = arith.muli %arg1, %mul3A : i32
    %add3A = arith.addi %mul3A_0, %arg0 : i32
    %mul3A_1 = arith.constant 512 : i32
    %mul3A_2 = arith.muli %add3A, %mul3A_1 : i32
    "tpu.region"() ({
      %run_scoped3A = tpu.sem_alloc : memref<!tpu.dma_semaphore, #tpu.memory_space<semaphore_mem>>
      %dma_start3A_422 = arith.constant 0 : i32
      %dma_start3A_423 = arith.constant 0 : i32
      %dma_start3A_424 = tpu.memref_slice %arg2[%add3A, %dma_start3A_422, %dma_start3A_423] : memref<32x32x16xi32, #tpu.memory_space<hbm>> -> memref<1x32x16xi32, #tpu.memory_space<hbm>>
      %dma_start3A_425 = tpu.memref_squeeze %dma_start3A_424 : memref<1x32x16xi32, #tpu.memory_space<hbm>> -> memref<32x16xi32, #tpu.memory_space<hbm>>
      %dma_start3A_426 = arith.constant 0 : i32
      %dma_start3A_427 = arith.constant 0 : i32
      %dma_start3A_428 = tpu.memref_slice %arg2[%add3A, %dma_start3A_426, %dma_start3A_427] : memref<32x32x16xi32, #tpu.memory_space<hbm>> -> memref<1x32x16xi32, #tpu.memory_space<hbm>>
      %dma_start3A_429 = tpu.memref_squeeze %dma_start3A_428 : memref<1x32x16xi32, #tpu.memory_space<hbm>> -> memref<32x16xi32, #tpu.memory_space<hbm>>
      tpu.enqueue_dma source(%dma_start3A_429 : memref<32x16xi32, #tpu.memory_space<hbm>>) target(%arg5 : memref<32x16xi32, #tpu.memory_space<vmem>>) target_semaphore(%run_scoped3A : memref<!tpu.dma_semaphore, #tpu.memory_space<semaphore_mem>>)
      %dma_wait3A_430 = arith.constant 0 : i32
      %dma_wait3A_431 = arith.constant 0 : i32
      %dma_wait3A_432 = tpu.memref_slice %arg2[%add3A, %dma_wait3A_430, %dma_wait3A_431] : memref<32x32x16xi32, #tpu.memory_space<hbm>> -> memref<1x32x16xi32, #tpu.memory_space<hbm>>
      %dma_wait3A_433 = tpu.memref_squeeze %dma_wait3A_432 : memref<1x32x16xi32, #tpu.memory_space<hbm>> -> memref<32x16xi32, #tpu.memory_space<hbm>>
      %dma_wait3A_434 = arith.constant 0 : i32
      %dma_wait3A_435 = arith.constant 0 : i32
      %dma_wait3A_436 = tpu.memref_slice %arg2[%add3A, %dma_wait3A_434, %dma_wait3A_435] : memref<32x32x16xi32, #tpu.memory_space<hbm>> -> memref<1x32x16xi32, #tpu.memory_space<hbm>>
      %dma_wait3A_437 = tpu.memref_squeeze %dma_wait3A_436 : memref<1x32x16xi32, #tpu.memory_space<hbm>> -> memref<32x16xi32, #tpu.memory_space<hbm>>
      tpu.wait_dma2 semaphore(%run_scoped3A : memref<!tpu.dma_semaphore, #tpu.memory_space<semaphore_mem>>) src(%dma_wait3A_437 : memref<32x16xi32, #tpu.memory_space<hbm>>) dst(%arg5 : memref<32x16xi32, #tpu.memory_space<vmem>>)
      tpu.yield
    }) : () -> ()
    %dma_start3A = arith.constant 0 : i32
    %dma_start3A_3 = arith.constant 0 : i32
    %dma_start3A_4 = arith.constant 0 : i32
    %dma_start3A_5 = arith.constant 0 : i32
    %dma_start3A_6 = tpu.memref_slice %arg6[%dma_start3A_3, %dma_start3A_4, %dma_start3A_5] : memref<6x16x1024xf32, #tpu.memory_space<vmem>> -> memref<1x16x1024xf32, #tpu.memory_space<vmem>>
    %dma_start3A_7 = tpu.memref_squeeze %dma_start3A_6 : memref<1x16x1024xf32, #tpu.memory_space<vmem>> -> memref<16x1024xf32, #tpu.memory_space<vmem>>
    %dma_start3A_8 = arith.constant 0 : i32
    %dma_start3A_9 = tpu.memref_slice %arg5[%dma_start3A, %dma_start3A_8] : memref<32x16xi32, #tpu.memory_space<vmem>> -> memref<1x16xi32, #tpu.memory_space<vmem>>
    %dma_start3A_10 = tpu.memref_squeeze %dma_start3A_9 : memref<1x16xi32, #tpu.memory_space<vmem>> -> memref<16xi32, #tpu.memory_space<vmem>>
    %dma_start3A_11 = arith.constant 0 : i32
    %dma_start3A_12 = arith.constant 0 : i32
    %dma_start3A_13 = tpu.memref_slice %arg3[%dma_start3A_11, %dma_start3A_12] : memref<100000x1024xf32, #tpu.memory_space<hbm>> -> memref<100000x1024xf32, #tpu.memory_space<hbm>>
    tpu.enqueue_indirect_dma source(%dma_start3A_13 : memref<100000x1024xf32, #tpu.memory_space<hbm>>) target(%dma_start3A_7 : memref<16x1024xf32, #tpu.memory_space<vmem>>) offsets(%dma_start3A_10 : memref<16xi32, #tpu.memory_space<vmem>>) semaphore(%arg7 : memref<!tpu.dma_semaphore, #tpu.memory_space<semaphore_mem>>)
    %dma_start3A_14 = arith.constant 1 : i32
    %dma_start3A_15 = arith.constant 1 : i32
    %dma_start3A_16 = arith.constant 0 : i32
    %dma_start3A_17 = arith.constant 0 : i32
    %dma_start3A_18 = tpu.memref_slice %arg6[%dma_start3A_15, %dma_start3A_16, %dma_start3A_17] : memref<6x16x1024xf32, #tpu.memory_space<vmem>> -> memref<1x16x1024xf32, #tpu.memory_space<vmem>>
    %dma_start3A_19 = tpu.memref_squeeze %dma_start3A_18 : memref<1x16x1024xf32, #tpu.memory_space<vmem>> -> memref<16x1024xf32, #tpu.memory_space<vmem>>
    %dma_start3A_20 = arith.constant 0 : i32
    %dma_start3A_21 = tpu.memref_slice %arg5[%dma_start3A_14, %dma_start3A_20] : memref<32x16xi32, #tpu.memory_space<vmem>> -> memref<1x16xi32, #tpu.memory_space<vmem>>
    %dma_start3A_22 = tpu.memref_squeeze %dma_start3A_21 : memref<1x16xi32, #tpu.memory_space<vmem>> -> memref<16xi32, #tpu.memory_space<vmem>>
    %dma_start3A_23 = arith.constant 0 : i32
    %dma_start3A_24 = arith.constant 0 : i32
    %dma_start3A_25 = tpu.memref_slice %arg3[%dma_start3A_23, %dma_start3A_24] : memref<100000x1024xf32, #tpu.memory_space<hbm>> -> memref<100000x1024xf32, #tpu.memory_space<hbm>>
    tpu.enqueue_indirect_dma source(%dma_start3A_25 : memref<100000x1024xf32, #tpu.memory_space<hbm>>) target(%dma_start3A_19 : memref<16x1024xf32, #tpu.memory_space<vmem>>) offsets(%dma_start3A_22 : memref<16xi32, #tpu.memory_space<vmem>>) semaphore(%arg8 : memref<!tpu.dma_semaphore, #tpu.memory_space<semaphore_mem>>)
    %dma_start3A_26 = arith.constant 2 : i32
    %dma_start3A_27 = arith.constant 2 : i32
    %dma_start3A_28 = arith.constant 0 : i32
    %dma_start3A_29 = arith.constant 0 : i32
    %dma_start3A_30 = tpu.memref_slice %arg6[%dma_start3A_27, %dma_start3A_28, %dma_start3A_29] : memref<6x16x1024xf32, #tpu.memory_space<vmem>> -> memref<1x16x1024xf32, #tpu.memory_space<vmem>>
    %dma_start3A_31 = tpu.memref_squeeze %dma_start3A_30 : memref<1x16x1024xf32, #tpu.memory_space<vmem>> -> memref<16x1024xf32, #tpu.memory_space<vmem>>
    %dma_start3A_32 = arith.constant 0 : i32
    %dma_start3A_33 = tpu.memref_slice %arg5[%dma_start3A_26, %dma_start3A_32] : memref<32x16xi32, #tpu.memory_space<vmem>> -> memref<1x16xi32, #tpu.memory_space<vmem>>
    %dma_start3A_34 = tpu.memref_squeeze %dma_start3A_33 : memref<1x16xi32, #tpu.memory_space<vmem>> -> memref<16xi32, #tpu.memory_space<vmem>>
    %dma_start3A_35 = arith.constant 0 : i32
    %dma_start3A_36 = arith.constant 0 : i32
    %dma_start3A_37 = tpu.memref_slice %arg3[%dma_start3A_35, %dma_start3A_36] : memref<100000x1024xf32, #tpu.memory_space<hbm>> -> memref<100000x1024xf32, #tpu.memory_space<hbm>>
    tpu.enqueue_indirect_dma source(%dma_start3A_37 : memref<100000x1024xf32, #tpu.memory_space<hbm>>) target(%dma_start3A_31 : memref<16x1024xf32, #tpu.memory_space<vmem>>) offsets(%dma_start3A_34 : memref<16xi32, #tpu.memory_space<vmem>>) semaphore(%arg9 : memref<!tpu.dma_semaphore, #tpu.memory_space<semaphore_mem>>)
    %dma_start3A_38 = arith.constant 3 : i32
    %dma_start3A_39 = arith.constant 3 : i32
    %dma_start3A_40 = arith.constant 0 : i32
    %dma_start3A_41 = arith.constant 0 : i32
    %dma_start3A_42 = tpu.memref_slice %arg6[%dma_start3A_39, %dma_start3A_40, %dma_start3A_41] : memref<6x16x1024xf32, #tpu.memory_space<vmem>> -> memref<1x16x1024xf32, #tpu.memory_space<vmem>>
    %dma_start3A_43 = tpu.memref_squeeze %dma_start3A_42 : memref<1x16x1024xf32, #tpu.memory_space<vmem>> -> memref<16x1024xf32, #tpu.memory_space<vmem>>
    %dma_start3A_44 = arith.constant 0 : i32
    %dma_start3A_45 = tpu.memref_slice %arg5[%dma_start3A_38, %dma_start3A_44] : memref<32x16xi32, #tpu.memory_space<vmem>> -> memref<1x16xi32, #tpu.memory_space<vmem>>
    %dma_start3A_46 = tpu.memref_squeeze %dma_start3A_45 : memref<1x16xi32, #tpu.memory_space<vmem>> -> memref<16xi32, #tpu.memory_space<vmem>>
    %dma_start3A_47 = arith.constant 0 : i32
    %dma_start3A_48 = arith.constant 0 : i32
    %dma_start3A_49 = tpu.memref_slice %arg3[%dma_start3A_47, %dma_start3A_48] : memref<100000x1024xf32, #tpu.memory_space<hbm>> -> memref<100000x1024xf32, #tpu.memory_space<hbm>>
    tpu.enqueue_indirect_dma source(%dma_start3A_49 : memref<100000x1024xf32, #tpu.memory_space<hbm>>) target(%dma_start3A_43 : memref<16x1024xf32, #tpu.memory_space<vmem>>) offsets(%dma_start3A_46 : memref<16xi32, #tpu.memory_space<vmem>>) semaphore(%arg10 : memref<!tpu.dma_semaphore, #tpu.memory_space<semaphore_mem>>)
    %dma_start3A_50 = arith.constant 4 : i32
    %dma_start3A_51 = arith.constant 4 : i32
    %dma_start3A_52 = arith.constant 0 : i32
    %dma_start3A_53 = arith.constant 0 : i32
    %dma_start3A_54 = tpu.memref_slice %arg6[%dma_start3A_51, %dma_start3A_52, %dma_start3A_53] : memref<6x16x1024xf32, #tpu.memory_space<vmem>> -> memref<1x16x1024xf32, #tpu.memory_space<vmem>>
    %dma_start3A_55 = tpu.memref_squeeze %dma_start3A_54 : memref<1x16x1024xf32, #tpu.memory_space<vmem>> -> memref<16x1024xf32, #tpu.memory_space<vmem>>
    %dma_start3A_56 = arith.constant 0 : i32
    %dma_start3A_57 = tpu.memref_slice %arg5[%dma_start3A_50, %dma_start3A_56] : memref<32x16xi32, #tpu.memory_space<vmem>> -> memref<1x16xi32, #tpu.memory_space<vmem>>
    %dma_start3A_58 = tpu.memref_squeeze %dma_start3A_57 : memref<1x16xi32, #tpu.memory_space<vmem>> -> memref<16xi32, #tpu.memory_space<vmem>>
    %dma_start3A_59 = arith.constant 0 : i32
    %dma_start3A_60 = arith.constant 0 : i32
    %dma_start3A_61 = tpu.memref_slice %arg3[%dma_start3A_59, %dma_start3A_60] : memref<100000x1024xf32, #tpu.memory_space<hbm>> -> memref<100000x1024xf32, #tpu.memory_space<hbm>>
    tpu.enqueue_indirect_dma source(%dma_start3A_61 : memref<100000x1024xf32, #tpu.memory_space<hbm>>) target(%dma_start3A_55 : memref<16x1024xf32, #tpu.memory_space<vmem>>) offsets(%dma_start3A_58 : memref<16xi32, #tpu.memory_space<vmem>>) semaphore(%arg11 : memref<!tpu.dma_semaphore, #tpu.memory_space<semaphore_mem>>)
    %dma_wait3A = arith.constant 0 : i32
    %dma_wait3A_62 = arith.constant 0 : i32
    %dma_wait3A_63 = arith.constant 0 : i32
    %dma_wait3A_64 = arith.constant 0 : i32
    %dma_wait3A_65 = tpu.memref_slice %arg6[%dma_wait3A_62, %dma_wait3A_63, %dma_wait3A_64] : memref<6x16x1024xf32, #tpu.memory_space<vmem>> -> memref<1x16x1024xf32, #tpu.memory_space<vmem>>
    %dma_wait3A_66 = tpu.memref_squeeze %dma_wait3A_65 : memref<1x16x1024xf32, #tpu.memory_space<vmem>> -> memref<16x1024xf32, #tpu.memory_space<vmem>>
    %dma_wait3A_67 = arith.constant 0 : i32
    %dma_wait3A_68 = tpu.memref_slice %arg5[%dma_wait3A, %dma_wait3A_67] : memref<32x16xi32, #tpu.memory_space<vmem>> -> memref<1x16xi32, #tpu.memory_space<vmem>>
    %dma_wait3A_69 = tpu.memref_squeeze %dma_wait3A_68 : memref<1x16xi32, #tpu.memory_space<vmem>> -> memref<16xi32, #tpu.memory_space<vmem>>
    %dma_wait3A_70 = arith.constant 0 : i32
    %dma_wait3A_71 = arith.constant 0 : i32
    %dma_wait3A_72 = tpu.memref_slice %arg3[%dma_wait3A_70, %dma_wait3A_71] : memref<100000x1024xf32, #tpu.memory_space<hbm>> -> memref<100000x1024xf32, #tpu.memory_space<hbm>>
    tpu.wait_indirect_dma semaphore(%arg7 : memref<!tpu.dma_semaphore, #tpu.memory_space<semaphore_mem>>) src(%dma_wait3A_72 : memref<100000x1024xf32, #tpu.memory_space<hbm>>) dst(%dma_wait3A_66 : memref<16x1024xf32, #tpu.memory_space<vmem>>)
    %add3A_73 = arith.constant 0 : i32
    %add3A_74 = arith.addi %mul3A_2, %add3A_73 : i32
    %dma_start3A_75 = arith.constant 0 : i32
    %dma_start3A_76 = arith.constant 0 : i32
    %dma_start3A_77 = arith.constant 0 : i32
    %dma_start3A_78 = tpu.memref_slice %arg6[%dma_start3A_75, %dma_start3A_76, %dma_start3A_77] : memref<6x16x1024xf32, #tpu.memory_space<vmem>> -> memref<1x16x1024xf32, #tpu.memory_space<vmem>>
    %dma_start3A_79 = tpu.memref_squeeze %dma_start3A_78 : memref<1x16x1024xf32, #tpu.memory_space<vmem>> -> memref<16x1024xf32, #tpu.memory_space<vmem>>
    %dma_start3A_80 = arith.constant 0 : i32
    %dma_start3A_81 = tpu.memref_slice %arg4[%add3A_74, %dma_start3A_80] : memref<16384x1024xf32, #tpu.memory_space<hbm>> -> memref<16x1024xf32, #tpu.memory_space<hbm>>
    %dma_start3A_82 = arith.constant 0 : i32
    %dma_start3A_83 = tpu.memref_slice %arg4[%add3A_74, %dma_start3A_82] : memref<16384x1024xf32, #tpu.memory_space<hbm>> -> memref<16x1024xf32, #tpu.memory_space<hbm>>
    %dma_start3A_84 = arith.constant 0 : i32
    %dma_start3A_85 = arith.constant 0 : i32
    %dma_start3A_86 = tpu.memref_slice %arg6[%dma_start3A_75, %dma_start3A_84, %dma_start3A_85] : memref<6x16x1024xf32, #tpu.memory_space<vmem>> -> memref<1x16x1024xf32, #tpu.memory_space<vmem>>
    %dma_start3A_87 = tpu.memref_squeeze %dma_start3A_86 : memref<1x16x1024xf32, #tpu.memory_space<vmem>> -> memref<16x1024xf32, #tpu.memory_space<vmem>>
    tpu.enqueue_dma source(%dma_start3A_87 : memref<16x1024xf32, #tpu.memory_space<vmem>>) target(%dma_start3A_83 : memref<16x1024xf32, #tpu.memory_space<hbm>>) target_semaphore(%arg13 : memref<!tpu.dma_semaphore, #tpu.memory_space<semaphore_mem>>)
    %dma_start3A_88 = arith.constant 5 : i32
    %dma_start3A_89 = arith.constant 5 : i32
    %dma_start3A_90 = arith.constant 0 : i32
    %dma_start3A_91 = arith.constant 0 : i32
    %dma_start3A_92 = tpu.memref_slice %arg6[%dma_start3A_89, %dma_start3A_90, %dma_start3A_91] : memref<6x16x1024xf32, #tpu.memory_space<vmem>> -> memref<1x16x1024xf32, #tpu.memory_space<vmem>>
    %dma_start3A_93 = tpu.memref_squeeze %dma_start3A_92 : memref<1x16x1024xf32, #tpu.memory_space<vmem>> -> memref<16x1024xf32, #tpu.memory_space<vmem>>
    %dma_start3A_94 = arith.constant 0 : i32
    %dma_start3A_95 = tpu.memref_slice %arg5[%dma_start3A_88, %dma_start3A_94] : memref<32x16xi32, #tpu.memory_space<vmem>> -> memref<1x16xi32, #tpu.memory_space<vmem>>
    %dma_start3A_96 = tpu.memref_squeeze %dma_start3A_95 : memref<1x16xi32, #tpu.memory_space<vmem>> -> memref<16xi32, #tpu.memory_space<vmem>>
    %dma_start3A_97 = arith.constant 0 : i32
    %dma_start3A_98 = arith.constant 0 : i32
    %dma_start3A_99 = tpu.memref_slice %arg3[%dma_start3A_97, %dma_start3A_98] : memref<100000x1024xf32, #tpu.memory_space<hbm>> -> memref<100000x1024xf32, #tpu.memory_space<hbm>>
    tpu.enqueue_indirect_dma source(%dma_start3A_99 : memref<100000x1024xf32, #tpu.memory_space<hbm>>) target(%dma_start3A_93 : memref<16x1024xf32, #tpu.memory_space<vmem>>) offsets(%dma_start3A_96 : memref<16xi32, #tpu.memory_space<vmem>>) semaphore(%arg12 : memref<!tpu.dma_semaphore, #tpu.memory_space<semaphore_mem>>)
    %dma_wait3A_100 = arith.constant 0 : i32
    %dma_wait3A_101 = arith.constant 1 : i32
    %dma_wait3A_102 = arith.constant 0 : i32
    %dma_wait3A_103 = arith.constant 0 : i32
    %dma_wait3A_104 = tpu.memref_slice %arg6[%dma_wait3A_101, %dma_wait3A_102, %dma_wait3A_103] : memref<6x16x1024xf32, #tpu.memory_space<vmem>> -> memref<1x16x1024xf32, #tpu.memory_space<vmem>>
    %dma_wait3A_105 = tpu.memref_squeeze %dma_wait3A_104 : memref<1x16x1024xf32, #tpu.memory_space<vmem>> -> memref<16x1024xf32, #tpu.memory_space<vmem>>
    %dma_wait3A_106 = arith.constant 0 : i32
    %dma_wait3A_107 = tpu.memref_slice %arg5[%dma_wait3A_100, %dma_wait3A_106] : memref<32x16xi32, #tpu.memory_space<vmem>> -> memref<1x16xi32, #tpu.memory_space<vmem>>
    %dma_wait3A_108 = tpu.memref_squeeze %dma_wait3A_107 : memref<1x16xi32, #tpu.memory_space<vmem>> -> memref<16xi32, #tpu.memory_space<vmem>>
    %dma_wait3A_109 = arith.constant 0 : i32
    %dma_wait3A_110 = arith.constant 0 : i32
    %dma_wait3A_111 = tpu.memref_slice %arg3[%dma_wait3A_109, %dma_wait3A_110] : memref<100000x1024xf32, #tpu.memory_space<hbm>> -> memref<100000x1024xf32, #tpu.memory_space<hbm>>
    tpu.wait_indirect_dma semaphore(%arg8 : memref<!tpu.dma_semaphore, #tpu.memory_space<semaphore_mem>>) src(%dma_wait3A_111 : memref<100000x1024xf32, #tpu.memory_space<hbm>>) dst(%dma_wait3A_105 : memref<16x1024xf32, #tpu.memory_space<vmem>>)
    %add3A_112 = arith.constant 16 : i32
    %add3A_113 = arith.addi %mul3A_2, %add3A_112 : i32
    %dma_start3A_114 = arith.constant 1 : i32
    %dma_start3A_115 = arith.constant 0 : i32
    %dma_start3A_116 = arith.constant 0 : i32
    %dma_start3A_117 = tpu.memref_slice %arg6[%dma_start3A_114, %dma_start3A_115, %dma_start3A_116] : memref<6x16x1024xf32, #tpu.memory_space<vmem>> -> memref<1x16x1024xf32, #tpu.memory_space<vmem>>
    %dma_start3A_118 = tpu.memref_squeeze %dma_start3A_117 : memref<1x16x1024xf32, #tpu.memory_space<vmem>> -> memref<16x1024xf32, #tpu.memory_space<vmem>>
    %dma_start3A_119 = arith.constant 0 : i32
    %dma_start3A_120 = tpu.memref_slice %arg4[%add3A_113, %dma_start3A_119] : memref<16384x1024xf32, #tpu.memory_space<hbm>> -> memref<16x1024xf32, #tpu.memory_space<hbm>>
    %dma_start3A_121 = arith.constant 0 : i32
    %dma_start3A_122 = tpu.memref_slice %arg4[%add3A_113, %dma_start3A_121] : memref<16384x1024xf32, #tpu.memory_space<hbm>> -> memref<16x1024xf32, #tpu.memory_space<hbm>>
    %dma_start3A_123 = arith.constant 0 : i32
    %dma_start3A_124 = arith.constant 0 : i32
    %dma_start3A_125 = tpu.memref_slice %arg6[%dma_start3A_114, %dma_start3A_123, %dma_start3A_124] : memref<6x16x1024xf32, #tpu.memory_space<vmem>> -> memref<1x16x1024xf32, #tpu.memory_space<vmem>>
    %dma_start3A_126 = tpu.memref_squeeze %dma_start3A_125 : memref<1x16x1024xf32, #tpu.memory_space<vmem>> -> memref<16x1024xf32, #tpu.memory_space<vmem>>
    tpu.enqueue_dma source(%dma_start3A_126 : memref<16x1024xf32, #tpu.memory_space<vmem>>) target(%dma_start3A_122 : memref<16x1024xf32, #tpu.memory_space<hbm>>) target_semaphore(%arg14 : memref<!tpu.dma_semaphore, #tpu.memory_space<semaphore_mem>>)
    %scan3A = arith.constant 0 : i32
    %scan3A_127 = arith.constant 0 : i32
    %scan3A_128 = arith.constant 4 : i32
    %scan3A_129 = arith.addi %scan3A_127, %scan3A_128 : i32
    %scan3A_130 = arith.constant 1 : i32
    scf.for %scan3A_422 = %scan3A_127 to %scan3A_129 step %scan3A_130  : i32 {
      %mul3A_423 = arith.constant 6 : i32
      %mul3A_424 = arith.muli %mul3A_423, %scan3A_422 : i32
      %add3A_425 = arith.constant 2 : i32
      %add3A_426 = arith.addi %add3A_425, %mul3A_424 : i32
      %add3A_427 = arith.constant 0 : i32
      %add3A_428 = arith.addi %add3A_426, %add3A_427 : i32
      %dma_wait3A_429 = arith.constant 0 : i32
      %dma_wait3A_430 = arith.constant 0 : i32
      %dma_wait3A_431 = arith.constant 0 : i32
      %dma_wait3A_432 = tpu.memref_slice %arg6[%dma_wait3A_429, %dma_wait3A_430, %dma_wait3A_431] : memref<6x16x1024xf32, #tpu.memory_space<vmem>> -> memref<1x16x1024xf32, #tpu.memory_space<vmem>>
      %dma_wait3A_433 = tpu.memref_squeeze %dma_wait3A_432 : memref<1x16x1024xf32, #tpu.memory_space<vmem>> -> memref<16x1024xf32, #tpu.memory_space<vmem>>
      %dma_wait3A_434 = arith.constant 0 : i32
      %dma_wait3A_435 = tpu.memref_slice %arg4[%mul3A_2, %dma_wait3A_434] : memref<16384x1024xf32, #tpu.memory_space<hbm>> -> memref<16x1024xf32, #tpu.memory_space<hbm>>
      %dma_wait3A_436 = arith.constant 0 : i32
      %dma_wait3A_437 = tpu.memref_slice %arg4[%mul3A_2, %dma_wait3A_436] : memref<16384x1024xf32, #tpu.memory_space<hbm>> -> memref<16x1024xf32, #tpu.memory_space<hbm>>
      %dma_wait3A_438 = arith.constant 0 : i32
      %dma_wait3A_439 = arith.constant 0 : i32
      %dma_wait3A_440 = tpu.memref_slice %arg6[%dma_wait3A_429, %dma_wait3A_438, %dma_wait3A_439] : memref<6x16x1024xf32, #tpu.memory_space<vmem>> -> memref<1x16x1024xf32, #tpu.memory_space<vmem>>
      %dma_wait3A_441 = tpu.memref_squeeze %dma_wait3A_440 : memref<1x16x1024xf32, #tpu.memory_space<vmem>> -> memref<16x1024xf32, #tpu.memory_space<vmem>>
      tpu.wait_dma2 semaphore(%arg13 : memref<!tpu.dma_semaphore, #tpu.memory_space<semaphore_mem>>) src(%dma_wait3A_441 : memref<16x1024xf32, #tpu.memory_space<vmem>>) dst(%dma_wait3A_437 : memref<16x1024xf32, #tpu.memory_space<hbm>>)
      %add3A_442 = arith.constant 4 : i32
      %add3A_443 = arith.addi %add3A_428, %add3A_442 : i32
      %dma_start3A_444 = arith.constant 0 : i32
      %dma_start3A_445 = arith.constant 0 : i32
      %dma_start3A_446 = arith.constant 0 : i32
      %dma_start3A_447 = tpu.memref_slice %arg6[%dma_start3A_444, %dma_start3A_445, %dma_start3A_446] : memref<6x16x1024xf32, #tpu.memory_space<vmem>> -> memref<1x16x1024xf32, #tpu.memory_space<vmem>>
      %dma_start3A_448 = tpu.memref_squeeze %dma_start3A_447 : memref<1x16x1024xf32, #tpu.memory_space<vmem>> -> memref<16x1024xf32, #tpu.memory_space<vmem>>
      %dma_start3A_449 = arith.constant 0 : i32
      %dma_start3A_450 = tpu.memref_slice %arg5[%add3A_443, %dma_start3A_449] : memref<32x16xi32, #tpu.memory_space<vmem>> -> memref<1x16xi32, #tpu.memory_space<vmem>>
      %dma_start3A_451 = tpu.memref_squeeze %dma_start3A_450 : memref<1x16xi32, #tpu.memory_space<vmem>> -> memref<16xi32, #tpu.memory_space<vmem>>
      %dma_start3A_452 = arith.constant 0 : i32
      %dma_start3A_453 = arith.constant 0 : i32
      %dma_start3A_454 = tpu.memref_slice %arg3[%dma_start3A_452, %dma_start3A_453] : memref<100000x1024xf32, #tpu.memory_space<hbm>> -> memref<100000x1024xf32, #tpu.memory_space<hbm>>
      tpu.enqueue_indirect_dma source(%dma_start3A_454 : memref<100000x1024xf32, #tpu.memory_space<hbm>>) target(%dma_start3A_448 : memref<16x1024xf32, #tpu.memory_space<vmem>>) offsets(%dma_start3A_451 : memref<16xi32, #tpu.memory_space<vmem>>) semaphore(%arg7 : memref<!tpu.dma_semaphore, #tpu.memory_space<semaphore_mem>>)
      %dma_wait3A_455 = arith.constant 0 : i32
      %dma_wait3A_456 = arith.constant 2 : i32
      %dma_wait3A_457 = arith.constant 0 : i32
      %dma_wait3A_458 = arith.constant 0 : i32
      %dma_wait3A_459 = tpu.memref_slice %arg6[%dma_wait3A_456, %dma_wait3A_457, %dma_wait3A_458] : memref<6x16x1024xf32, #tpu.memory_space<vmem>> -> memref<1x16x1024xf32, #tpu.memory_space<vmem>>
      %dma_wait3A_460 = tpu.memref_squeeze %dma_wait3A_459 : memref<1x16x1024xf32, #tpu.memory_space<vmem>> -> memref<16x1024xf32, #tpu.memory_space<vmem>>
      %dma_wait3A_461 = arith.constant 0 : i32
      %dma_wait3A_462 = tpu.memref_slice %arg5[%dma_wait3A_455, %dma_wait3A_461] : memref<32x16xi32, #tpu.memory_space<vmem>> -> memref<1x16xi32, #tpu.memory_space<vmem>>
      %dma_wait3A_463 = tpu.memref_squeeze %dma_wait3A_462 : memref<1x16xi32, #tpu.memory_space<vmem>> -> memref<16xi32, #tpu.memory_space<vmem>>
      %dma_wait3A_464 = arith.constant 0 : i32
      %dma_wait3A_465 = arith.constant 0 : i32
      %dma_wait3A_466 = tpu.memref_slice %arg3[%dma_wait3A_464, %dma_wait3A_465] : memref<100000x1024xf32, #tpu.memory_space<hbm>> -> memref<100000x1024xf32, #tpu.memory_space<hbm>>
      tpu.wait_indirect_dma semaphore(%arg9 : memref<!tpu.dma_semaphore, #tpu.memory_space<semaphore_mem>>) src(%dma_wait3A_466 : memref<100000x1024xf32, #tpu.memory_space<hbm>>) dst(%dma_wait3A_460 : memref<16x1024xf32, #tpu.memory_space<vmem>>)
      %mul3A_467 = arith.constant 16 : i32
      %mul3A_468 = arith.muli %add3A_428, %mul3A_467 : i32
      %add3A_469 = arith.addi %mul3A_2, %mul3A_468 : i32
      %dma_start3A_470 = arith.constant 2 : i32
      %dma_start3A_471 = arith.constant 0 : i32
      %dma_start3A_472 = arith.constant 0 : i32
      %dma_start3A_473 = tpu.memref_slice %arg6[%dma_start3A_470, %dma_start3A_471, %dma_start3A_472] : memref<6x16x1024xf32, #tpu.memory_space<vmem>> -> memref<1x16x1024xf32, #tpu.memory_space<vmem>>
      %dma_start3A_474 = tpu.memref_squeeze %dma_start3A_473 : memref<1x16x1024xf32, #tpu.memory_space<vmem>> -> memref<16x1024xf32, #tpu.memory_space<vmem>>
      %dma_start3A_475 = arith.constant 0 : i32
      %dma_start3A_476 = tpu.memref_slice %arg4[%add3A_469, %dma_start3A_475] : memref<16384x1024xf32, #tpu.memory_space<hbm>> -> memref<16x1024xf32, #tpu.memory_space<hbm>>
      %dma_start3A_477 = arith.constant 0 : i32
      %dma_start3A_478 = tpu.memref_slice %arg4[%add3A_469, %dma_start3A_477] : memref<16384x1024xf32, #tpu.memory_space<hbm>> -> memref<16x1024xf32, #tpu.memory_space<hbm>>
      %dma_start3A_479 = arith.constant 0 : i32
      %dma_start3A_480 = arith.constant 0 : i32
      %dma_start3A_481 = tpu.memref_slice %arg6[%dma_start3A_470, %dma_start3A_479, %dma_start3A_480] : memref<6x16x1024xf32, #tpu.memory_space<vmem>> -> memref<1x16x1024xf32, #tpu.memory_space<vmem>>
      %dma_start3A_482 = tpu.memref_squeeze %dma_start3A_481 : memref<1x16x1024xf32, #tpu.memory_space<vmem>> -> memref<16x1024xf32, #tpu.memory_space<vmem>>
      tpu.enqueue_dma source(%dma_start3A_482 : memref<16x1024xf32, #tpu.memory_space<vmem>>) target(%dma_start3A_478 : memref<16x1024xf32, #tpu.memory_space<hbm>>) target_semaphore(%arg15 : memref<!tpu.dma_semaphore, #tpu.memory_space<semaphore_mem>>)
      %add3A_483 = arith.constant 1 : i32
      %add3A_484 = arith.addi %add3A_426, %add3A_483 : i32
      %dma_wait3A_485 = arith.constant 1 : i32
      %dma_wait3A_486 = arith.constant 0 : i32
      %dma_wait3A_487 = arith.constant 0 : i32
      %dma_wait3A_488 = tpu.memref_slice %arg6[%dma_wait3A_485, %dma_wait3A_486, %dma_wait3A_487] : memref<6x16x1024xf32, #tpu.memory_space<vmem>> -> memref<1x16x1024xf32, #tpu.memory_space<vmem>>
      %dma_wait3A_489 = tpu.memref_squeeze %dma_wait3A_488 : memref<1x16x1024xf32, #tpu.memory_space<vmem>> -> memref<16x1024xf32, #tpu.memory_space<vmem>>
      %dma_wait3A_490 = arith.constant 0 : i32
      %dma_wait3A_491 = tpu.memref_slice %arg4[%mul3A_2, %dma_wait3A_490] : memref<16384x1024xf32, #tpu.memory_space<hbm>> -> memref<16x1024xf32, #tpu.memory_space<hbm>>
      %dma_wait3A_492 = arith.constant 0 : i32
      %dma_wait3A_493 = tpu.memref_slice %arg4[%mul3A_2, %dma_wait3A_492] : memref<16384x1024xf32, #tpu.memory_space<hbm>> -> memref<16x1024xf32, #tpu.memory_space<hbm>>
      %dma_wait3A_494 = arith.constant 0 : i32
      %dma_wait3A_495 = arith.constant 0 : i32
      %dma_wait3A_496 = tpu.memref_slice %arg6[%dma_wait3A_485, %dma_wait3A_494, %dma_wait3A_495] : memref<6x16x1024xf32, #tpu.memory_space<vmem>> -> memref<1x16x1024xf32, #tpu.memory_space<vmem>>
      %dma_wait3A_497 = tpu.memref_squeeze %dma_wait3A_496 : memref<1x16x1024xf32, #tpu.memory_space<vmem>> -> memref<16x1024xf32, #tpu.memory_space<vmem>>
      tpu.wait_dma2 semaphore(%arg14 : memref<!tpu.dma_semaphore, #tpu.memory_space<semaphore_mem>>) src(%dma_wait3A_497 : memref<16x1024xf32, #tpu.memory_space<vmem>>) dst(%dma_wait3A_493 : memref<16x1024xf32, #tpu.memory_space<hbm>>)
      %add3A_498 = arith.constant 4 : i32
      %add3A_499 = arith.addi %add3A_484, %add3A_498 : i32
      %dma_start3A_500 = arith.constant 1 : i32
      %dma_start3A_501 = arith.constant 0 : i32
      %dma_start3A_502 = arith.constant 0 : i32
      %dma_start3A_503 = tpu.memref_slice %arg6[%dma_start3A_500, %dma_start3A_501, %dma_start3A_502] : memref<6x16x1024xf32, #tpu.memory_space<vmem>> -> memref<1x16x1024xf32, #tpu.memory_space<vmem>>
      %dma_start3A_504 = tpu.memref_squeeze %dma_start3A_503 : memref<1x16x1024xf32, #tpu.memory_space<vmem>> -> memref<16x1024xf32, #tpu.memory_space<vmem>>
      %dma_start3A_505 = arith.constant 0 : i32
      %dma_start3A_506 = tpu.memref_slice %arg5[%add3A_499, %dma_start3A_505] : memref<32x16xi32, #tpu.memory_space<vmem>> -> memref<1x16xi32, #tpu.memory_space<vmem>>
      %dma_start3A_507 = tpu.memref_squeeze %dma_start3A_506 : memref<1x16xi32, #tpu.memory_space<vmem>> -> memref<16xi32, #tpu.memory_space<vmem>>
      %dma_start3A_508 = arith.constant 0 : i32
      %dma_start3A_509 = arith.constant 0 : i32
      %dma_start3A_510 = tpu.memref_slice %arg3[%dma_start3A_508, %dma_start3A_509] : memref<100000x1024xf32, #tpu.memory_space<hbm>> -> memref<100000x1024xf32, #tpu.memory_space<hbm>>
      tpu.enqueue_indirect_dma source(%dma_start3A_510 : memref<100000x1024xf32, #tpu.memory_space<hbm>>) target(%dma_start3A_504 : memref<16x1024xf32, #tpu.memory_space<vmem>>) offsets(%dma_start3A_507 : memref<16xi32, #tpu.memory_space<vmem>>) semaphore(%arg8 : memref<!tpu.dma_semaphore, #tpu.memory_space<semaphore_mem>>)
      %dma_wait3A_511 = arith.constant 0 : i32
      %dma_wait3A_512 = arith.constant 3 : i32
      %dma_wait3A_513 = arith.constant 0 : i32
      %dma_wait3A_514 = arith.constant 0 : i32
      %dma_wait3A_515 = tpu.memref_slice %arg6[%dma_wait3A_512, %dma_wait3A_513, %dma_wait3A_514] : memref<6x16x1024xf32, #tpu.memory_space<vmem>> -> memref<1x16x1024xf32, #tpu.memory_space<vmem>>
      %dma_wait3A_516 = tpu.memref_squeeze %dma_wait3A_515 : memref<1x16x1024xf32, #tpu.memory_space<vmem>> -> memref<16x1024xf32, #tpu.memory_space<vmem>>
      %dma_wait3A_517 = arith.constant 0 : i32
      %dma_wait3A_518 = tpu.memref_slice %arg5[%dma_wait3A_511, %dma_wait3A_517] : memref<32x16xi32, #tpu.memory_space<vmem>> -> memref<1x16xi32, #tpu.memory_space<vmem>>
      %dma_wait3A_519 = tpu.memref_squeeze %dma_wait3A_518 : memref<1x16xi32, #tpu.memory_space<vmem>> -> memref<16xi32, #tpu.memory_space<vmem>>
      %dma_wait3A_520 = arith.constant 0 : i32
      %dma_wait3A_521 = arith.constant 0 : i32
      %dma_wait3A_522 = tpu.memref_slice %arg3[%dma_wait3A_520, %dma_wait3A_521] : memref<100000x1024xf32, #tpu.memory_space<hbm>> -> memref<100000x1024xf32, #tpu.memory_space<hbm>>
      tpu.wait_indirect_dma semaphore(%arg10 : memref<!tpu.dma_semaphore, #tpu.memory_space<semaphore_mem>>) src(%dma_wait3A_522 : memref<100000x1024xf32, #tpu.memory_space<hbm>>) dst(%dma_wait3A_516 : memref<16x1024xf32, #tpu.memory_space<vmem>>)
      %mul3A_523 = arith.constant 16 : i32
      %mul3A_524 = arith.muli %add3A_484, %mul3A_523 : i32
      %add3A_525 = arith.addi %mul3A_2, %mul3A_524 : i32
      %dma_start3A_526 = arith.constant 3 : i32
      %dma_start3A_527 = arith.constant 0 : i32
      %dma_start3A_528 = arith.constant 0 : i32
      %dma_start3A_529 = tpu.memref_slice %arg6[%dma_start3A_526, %dma_start3A_527, %dma_start3A_528] : memref<6x16x1024xf32, #tpu.memory_space<vmem>> -> memref<1x16x1024xf32, #tpu.memory_space<vmem>>
      %dma_start3A_530 = tpu.memref_squeeze %dma_start3A_529 : memref<1x16x1024xf32, #tpu.memory_space<vmem>> -> memref<16x1024xf32, #tpu.memory_space<vmem>>
      %dma_start3A_531 = arith.constant 0 : i32
      %dma_start3A_532 = tpu.memref_slice %arg4[%add3A_525, %dma_start3A_531] : memref<16384x1024xf32, #tpu.memory_space<hbm>> -> memref<16x1024xf32, #tpu.memory_space<hbm>>
      %dma_start3A_533 = arith.constant 0 : i32
      %dma_start3A_534 = tpu.memref_slice %arg4[%add3A_525, %dma_start3A_533] : memref<16384x1024xf32, #tpu.memory_space<hbm>> -> memref<16x1024xf32, #tpu.memory_space<hbm>>
      %dma_start3A_535 = arith.constant 0 : i32
      %dma_start3A_536 = arith.constant 0 : i32
      %dma_start3A_537 = tpu.memref_slice %arg6[%dma_start3A_526, %dma_start3A_535, %dma_start3A_536] : memref<6x16x1024xf32, #tpu.memory_space<vmem>> -> memref<1x16x1024xf32, #tpu.memory_space<vmem>>
      %dma_start3A_538 = tpu.memref_squeeze %dma_start3A_537 : memref<1x16x1024xf32, #tpu.memory_space<vmem>> -> memref<16x1024xf32, #tpu.memory_space<vmem>>
      tpu.enqueue_dma source(%dma_start3A_538 : memref<16x1024xf32, #tpu.memory_space<vmem>>) target(%dma_start3A_534 : memref<16x1024xf32, #tpu.memory_space<hbm>>) target_semaphore(%arg16 : memref<!tpu.dma_semaphore, #tpu.memory_space<semaphore_mem>>)
      %add3A_539 = arith.constant 2 : i32
      %add3A_540 = arith.addi %add3A_426, %add3A_539 : i32
      %dma_wait3A_541 = arith.constant 2 : i32
      %dma_wait3A_542 = arith.constant 0 : i32
      %dma_wait3A_543 = arith.constant 0 : i32
      %dma_wait3A_544 = tpu.memref_slice %arg6[%dma_wait3A_541, %dma_wait3A_542, %dma_wait3A_543] : memref<6x16x1024xf32, #tpu.memory_space<vmem>> -> memref<1x16x1024xf32, #tpu.memory_space<vmem>>
      %dma_wait3A_545 = tpu.memref_squeeze %dma_wait3A_544 : memref<1x16x1024xf32, #tpu.memory_space<vmem>> -> memref<16x1024xf32, #tpu.memory_space<vmem>>
      %dma_wait3A_546 = arith.constant 0 : i32
      %dma_wait3A_547 = tpu.memref_slice %arg4[%mul3A_2, %dma_wait3A_546] : memref<16384x1024xf32, #tpu.memory_space<hbm>> -> memref<16x1024xf32, #tpu.memory_space<hbm>>
      %dma_wait3A_548 = arith.constant 0 : i32
      %dma_wait3A_549 = tpu.memref_slice %arg4[%mul3A_2, %dma_wait3A_548] : memref<16384x1024xf32, #tpu.memory_space<hbm>> -> memref<16x1024xf32, #tpu.memory_space<hbm>>
      %dma_wait3A_550 = arith.constant 0 : i32
      %dma_wait3A_551 = arith.constant 0 : i32
      %dma_wait3A_552 = tpu.memref_slice %arg6[%dma_wait3A_541, %dma_wait3A_550, %dma_wait3A_551] : memref<6x16x1024xf32, #tpu.memory_space<vmem>> -> memref<1x16x1024xf32, #tpu.memory_space<vmem>>
      %dma_wait3A_553 = tpu.memref_squeeze %dma_wait3A_552 : memref<1x16x1024xf32, #tpu.memory_space<vmem>> -> memref<16x1024xf32, #tpu.memory_space<vmem>>
      tpu.wait_dma2 semaphore(%arg15 : memref<!tpu.dma_semaphore, #tpu.memory_space<semaphore_mem>>) src(%dma_wait3A_553 : memref<16x1024xf32, #tpu.memory_space<vmem>>) dst(%dma_wait3A_549 : memref<16x1024xf32, #tpu.memory_space<hbm>>)
      %add3A_554 = arith.constant 4 : i32
      %add3A_555 = arith.addi %add3A_540, %add3A_554 : i32
      %dma_start3A_556 = arith.constant 2 : i32
      %dma_start3A_557 = arith.constant 0 : i32
      %dma_start3A_558 = arith.constant 0 : i32
      %dma_start3A_559 = tpu.memref_slice %arg6[%dma_start3A_556, %dma_start3A_557, %dma_start3A_558] : memref<6x16x1024xf32, #tpu.memory_space<vmem>> -> memref<1x16x1024xf32, #tpu.memory_space<vmem>>
      %dma_start3A_560 = tpu.memref_squeeze %dma_start3A_559 : memref<1x16x1024xf32, #tpu.memory_space<vmem>> -> memref<16x1024xf32, #tpu.memory_space<vmem>>
      %dma_start3A_561 = arith.constant 0 : i32
      %dma_start3A_562 = tpu.memref_slice %arg5[%add3A_555, %dma_start3A_561] : memref<32x16xi32, #tpu.memory_space<vmem>> -> memref<1x16xi32, #tpu.memory_space<vmem>>
      %dma_start3A_563 = tpu.memref_squeeze %dma_start3A_562 : memref<1x16xi32, #tpu.memory_space<vmem>> -> memref<16xi32, #tpu.memory_space<vmem>>
      %dma_start3A_564 = arith.constant 0 : i32
      %dma_start3A_565 = arith.constant 0 : i32
      %dma_start3A_566 = tpu.memref_slice %arg3[%dma_start3A_564, %dma_start3A_565] : memref<100000x1024xf32, #tpu.memory_space<hbm>> -> memref<100000x1024xf32, #tpu.memory_space<hbm>>
      tpu.enqueue_indirect_dma source(%dma_start3A_566 : memref<100000x1024xf32, #tpu.memory_space<hbm>>) target(%dma_start3A_560 : memref<16x1024xf32, #tpu.memory_space<vmem>>) offsets(%dma_start3A_563 : memref<16xi32, #tpu.memory_space<vmem>>) semaphore(%arg9 : memref<!tpu.dma_semaphore, #tpu.memory_space<semaphore_mem>>)
      %dma_wait3A_567 = arith.constant 0 : i32
      %dma_wait3A_568 = arith.constant 4 : i32
      %dma_wait3A_569 = arith.constant 0 : i32
      %dma_wait3A_570 = arith.constant 0 : i32
      %dma_wait3A_571 = tpu.memref_slice %arg6[%dma_wait3A_568, %dma_wait3A_569, %dma_wait3A_570] : memref<6x16x1024xf32, #tpu.memory_space<vmem>> -> memref<1x16x1024xf32, #tpu.memory_space<vmem>>
      %dma_wait3A_572 = tpu.memref_squeeze %dma_wait3A_571 : memref<1x16x1024xf32, #tpu.memory_space<vmem>> -> memref<16x1024xf32, #tpu.memory_space<vmem>>
      %dma_wait3A_573 = arith.constant 0 : i32
      %dma_wait3A_574 = tpu.memref_slice %arg5[%dma_wait3A_567, %dma_wait3A_573] : memref<32x16xi32, #tpu.memory_space<vmem>> -> memref<1x16xi32, #tpu.memory_space<vmem>>
      %dma_wait3A_575 = tpu.memref_squeeze %dma_wait3A_574 : memref<1x16xi32, #tpu.memory_space<vmem>> -> memref<16xi32, #tpu.memory_space<vmem>>
      %dma_wait3A_576 = arith.constant 0 : i32
      %dma_wait3A_577 = arith.constant 0 : i32
      %dma_wait3A_578 = tpu.memref_slice %arg3[%dma_wait3A_576, %dma_wait3A_577] : memref<100000x1024xf32, #tpu.memory_space<hbm>> -> memref<100000x1024xf32, #tpu.memory_space<hbm>>
      tpu.wait_indirect_dma semaphore(%arg11 : memref<!tpu.dma_semaphore, #tpu.memory_space<semaphore_mem>>) src(%dma_wait3A_578 : memref<100000x1024xf32, #tpu.memory_space<hbm>>) dst(%dma_wait3A_572 : memref<16x1024xf32, #tpu.memory_space<vmem>>)
      %mul3A_579 = arith.constant 16 : i32
      %mul3A_580 = arith.muli %add3A_540, %mul3A_579 : i32
      %add3A_581 = arith.addi %mul3A_2, %mul3A_580 : i32
      %dma_start3A_582 = arith.constant 4 : i32
      %dma_start3A_583 = arith.constant 0 : i32
      %dma_start3A_584 = arith.constant 0 : i32
      %dma_start3A_585 = tpu.memref_slice %arg6[%dma_start3A_582, %dma_start3A_583, %dma_start3A_584] : memref<6x16x1024xf32, #tpu.memory_space<vmem>> -> memref<1x16x1024xf32, #tpu.memory_space<vmem>>
      %dma_start3A_586 = tpu.memref_squeeze %dma_start3A_585 : memref<1x16x1024xf32, #tpu.memory_space<vmem>> -> memref<16x1024xf32, #tpu.memory_space<vmem>>
      %dma_start3A_587 = arith.constant 0 : i32
      %dma_start3A_588 = tpu.memref_slice %arg4[%add3A_581, %dma_start3A_587] : memref<16384x1024xf32, #tpu.memory_space<hbm>> -> memref<16x1024xf32, #tpu.memory_space<hbm>>
      %dma_start3A_589 = arith.constant 0 : i32
      %dma_start3A_590 = tpu.memref_slice %arg4[%add3A_581, %dma_start3A_589] : memref<16384x1024xf32, #tpu.memory_space<hbm>> -> memref<16x1024xf32, #tpu.memory_space<hbm>>
      %dma_start3A_591 = arith.constant 0 : i32
      %dma_start3A_592 = arith.constant 0 : i32
      %dma_start3A_593 = tpu.memref_slice %arg6[%dma_start3A_582, %dma_start3A_591, %dma_start3A_592] : memref<6x16x1024xf32, #tpu.memory_space<vmem>> -> memref<1x16x1024xf32, #tpu.memory_space<vmem>>
      %dma_start3A_594 = tpu.memref_squeeze %dma_start3A_593 : memref<1x16x1024xf32, #tpu.memory_space<vmem>> -> memref<16x1024xf32, #tpu.memory_space<vmem>>
      tpu.enqueue_dma source(%dma_start3A_594 : memref<16x1024xf32, #tpu.memory_space<vmem>>) target(%dma_start3A_590 : memref<16x1024xf32, #tpu.memory_space<hbm>>) target_semaphore(%arg17 : memref<!tpu.dma_semaphore, #tpu.memory_space<semaphore_mem>>)
      %add3A_595 = arith.constant 3 : i32
      %add3A_596 = arith.addi %add3A_426, %add3A_595 : i32
      %dma_wait3A_597 = arith.constant 3 : i32
      %dma_wait3A_598 = arith.constant 0 : i32
      %dma_wait3A_599 = arith.constant 0 : i32
      %dma_wait3A_600 = tpu.memref_slice %arg6[%dma_wait3A_597, %dma_wait3A_598, %dma_wait3A_599] : memref<6x16x1024xf32, #tpu.memory_space<vmem>> -> memref<1x16x1024xf32, #tpu.memory_space<vmem>>
      %dma_wait3A_601 = tpu.memref_squeeze %dma_wait3A_600 : memref<1x16x1024xf32, #tpu.memory_space<vmem>> -> memref<16x1024xf32, #tpu.memory_space<vmem>>
      %dma_wait3A_602 = arith.constant 0 : i32
      %dma_wait3A_603 = tpu.memref_slice %arg4[%mul3A_2, %dma_wait3A_602] : memref<16384x1024xf32, #tpu.memory_space<hbm>> -> memref<16x1024xf32, #tpu.memory_space<hbm>>
      %dma_wait3A_604 = arith.constant 0 : i32
      %dma_wait3A_605 = tpu.memref_slice %arg4[%mul3A_2, %dma_wait3A_604] : memref<16384x1024xf32, #tpu.memory_space<hbm>> -> memref<16x1024xf32, #tpu.memory_space<hbm>>
      %dma_wait3A_606 = arith.constant 0 : i32
      %dma_wait3A_607 = arith.constant 0 : i32
      %dma_wait3A_608 = tpu.memref_slice %arg6[%dma_wait3A_597, %dma_wait3A_606, %dma_wait3A_607] : memref<6x16x1024xf32, #tpu.memory_space<vmem>> -> memref<1x16x1024xf32, #tpu.memory_space<vmem>>
      %dma_wait3A_609 = tpu.memref_squeeze %dma_wait3A_608 : memref<1x16x1024xf32, #tpu.memory_space<vmem>> -> memref<16x1024xf32, #tpu.memory_space<vmem>>
      tpu.wait_dma2 semaphore(%arg16 : memref<!tpu.dma_semaphore, #tpu.memory_space<semaphore_mem>>) src(%dma_wait3A_609 : memref<16x1024xf32, #tpu.memory_space<vmem>>) dst(%dma_wait3A_605 : memref<16x1024xf32, #tpu.memory_space<hbm>>)
      %add3A_610 = arith.constant 4 : i32
      %add3A_611 = arith.addi %add3A_596, %add3A_610 : i32
      %dma_start3A_612 = arith.constant 3 : i32
      %dma_start3A_613 = arith.constant 0 : i32
      %dma_start3A_614 = arith.constant 0 : i32
      %dma_start3A_615 = tpu.memref_slice %arg6[%dma_start3A_612, %dma_start3A_613, %dma_start3A_614] : memref<6x16x1024xf32, #tpu.memory_space<vmem>> -> memref<1x16x1024xf32, #tpu.memory_space<vmem>>
      %dma_start3A_616 = tpu.memref_squeeze %dma_start3A_615 : memref<1x16x1024xf32, #tpu.memory_space<vmem>> -> memref<16x1024xf32, #tpu.memory_space<vmem>>
      %dma_start3A_617 = arith.constant 0 : i32
      %dma_start3A_618 = tpu.memref_slice %arg5[%add3A_611, %dma_start3A_617] : memref<32x16xi32, #tpu.memory_space<vmem>> -> memref<1x16xi32, #tpu.memory_space<vmem>>
      %dma_start3A_619 = tpu.memref_squeeze %dma_start3A_618 : memref<1x16xi32, #tpu.memory_space<vmem>> -> memref<16xi32, #tpu.memory_space<vmem>>
      %dma_start3A_620 = arith.constant 0 : i32
      %dma_start3A_621 = arith.constant 0 : i32
      %dma_start3A_622 = tpu.memref_slice %arg3[%dma_start3A_620, %dma_start3A_621] : memref<100000x1024xf32, #tpu.memory_space<hbm>> -> memref<100000x1024xf32, #tpu.memory_space<hbm>>
      tpu.enqueue_indirect_dma source(%dma_start3A_622 : memref<100000x1024xf32, #tpu.memory_space<hbm>>) target(%dma_start3A_616 : memref<16x1024xf32, #tpu.memory_space<vmem>>) offsets(%dma_start3A_619 : memref<16xi32, #tpu.memory_space<vmem>>) semaphore(%arg10 : memref<!tpu.dma_semaphore, #tpu.memory_space<semaphore_mem>>)
      %dma_wait3A_623 = arith.constant 0 : i32
      %dma_wait3A_624 = arith.constant 5 : i32
      %dma_wait3A_625 = arith.constant 0 : i32
      %dma_wait3A_626 = arith.constant 0 : i32
      %dma_wait3A_627 = tpu.memref_slice %arg6[%dma_wait3A_624, %dma_wait3A_625, %dma_wait3A_626] : memref<6x16x1024xf32, #tpu.memory_space<vmem>> -> memref<1x16x1024xf32, #tpu.memory_space<vmem>>
      %dma_wait3A_628 = tpu.memref_squeeze %dma_wait3A_627 : memref<1x16x1024xf32, #tpu.memory_space<vmem>> -> memref<16x1024xf32, #tpu.memory_space<vmem>>
      %dma_wait3A_629 = arith.constant 0 : i32
      %dma_wait3A_630 = tpu.memref_slice %arg5[%dma_wait3A_623, %dma_wait3A_629] : memref<32x16xi32, #tpu.memory_space<vmem>> -> memref<1x16xi32, #tpu.memory_space<vmem>>
      %dma_wait3A_631 = tpu.memref_squeeze %dma_wait3A_630 : memref<1x16xi32, #tpu.memory_space<vmem>> -> memref<16xi32, #tpu.memory_space<vmem>>
      %dma_wait3A_632 = arith.constant 0 : i32
      %dma_wait3A_633 = arith.constant 0 : i32
      %dma_wait3A_634 = tpu.memref_slice %arg3[%dma_wait3A_632, %dma_wait3A_633] : memref<100000x1024xf32, #tpu.memory_space<hbm>> -> memref<100000x1024xf32, #tpu.memory_space<hbm>>
      tpu.wait_indirect_dma semaphore(%arg12 : memref<!tpu.dma_semaphore, #tpu.memory_space<semaphore_mem>>) src(%dma_wait3A_634 : memref<100000x1024xf32, #tpu.memory_space<hbm>>) dst(%dma_wait3A_628 : memref<16x1024xf32, #tpu.memory_space<vmem>>)
      %mul3A_635 = arith.constant 16 : i32
      %mul3A_636 = arith.muli %add3A_596, %mul3A_635 : i32
      %add3A_637 = arith.addi %mul3A_2, %mul3A_636 : i32
      %dma_start3A_638 = arith.constant 5 : i32
      %dma_start3A_639 = arith.constant 0 : i32
      %dma_start3A_640 = arith.constant 0 : i32
      %dma_start3A_641 = tpu.memref_slice %arg6[%dma_start3A_638, %dma_start3A_639, %dma_start3A_640] : memref<6x16x1024xf32, #tpu.memory_space<vmem>> -> memref<1x16x1024xf32, #tpu.memory_space<vmem>>
      %dma_start3A_642 = tpu.memref_squeeze %dma_start3A_641 : memref<1x16x1024xf32, #tpu.memory_space<vmem>> -> memref<16x1024xf32, #tpu.memory_space<vmem>>
      %dma_start3A_643 = arith.constant 0 : i32
      %dma_start3A_644 = tpu.memref_slice %arg4[%add3A_637, %dma_start3A_643] : memref<16384x1024xf32, #tpu.memory_space<hbm>> -> memref<16x1024xf32, #tpu.memory_space<hbm>>
      %dma_start3A_645 = arith.constant 0 : i32
      %dma_start3A_646 = tpu.memref_slice %arg4[%add3A_637, %dma_start3A_645] : memref<16384x1024xf32, #tpu.memory_space<hbm>> -> memref<16x1024xf32, #tpu.memory_space<hbm>>
      %dma_start3A_647 = arith.constant 0 : i32
      %dma_start3A_648 = arith.constant 0 : i32
      %dma_start3A_649 = tpu.memref_slice %arg6[%dma_start3A_638, %dma_start3A_647, %dma_start3A_648] : memref<6x16x1024xf32, #tpu.memory_space<vmem>> -> memref<1x16x1024xf32, #tpu.memory_space<vmem>>
      %dma_start3A_650 = tpu.memref_squeeze %dma_start3A_649 : memref<1x16x1024xf32, #tpu.memory_space<vmem>> -> memref<16x1024xf32, #tpu.memory_space<vmem>>
      tpu.enqueue_dma source(%dma_start3A_650 : memref<16x1024xf32, #tpu.memory_space<vmem>>) target(%dma_start3A_646 : memref<16x1024xf32, #tpu.memory_space<hbm>>) target_semaphore(%arg18 : memref<!tpu.dma_semaphore, #tpu.memory_space<semaphore_mem>>)
      %add3A_651 = arith.constant 4 : i32
      %add3A_652 = arith.addi %add3A_426, %add3A_651 : i32
      %dma_wait3A_653 = arith.constant 4 : i32
      %dma_wait3A_654 = arith.constant 0 : i32
      %dma_wait3A_655 = arith.constant 0 : i32
      %dma_wait3A_656 = tpu.memref_slice %arg6[%dma_wait3A_653, %dma_wait3A_654, %dma_wait3A_655] : memref<6x16x1024xf32, #tpu.memory_space<vmem>> -> memref<1x16x1024xf32, #tpu.memory_space<vmem>>
      %dma_wait3A_657 = tpu.memref_squeeze %dma_wait3A_656 : memref<1x16x1024xf32, #tpu.memory_space<vmem>> -> memref<16x1024xf32, #tpu.memory_space<vmem>>
      %dma_wait3A_658 = arith.constant 0 : i32
      %dma_wait3A_659 = tpu.memref_slice %arg4[%mul3A_2, %dma_wait3A_658] : memref<16384x1024xf32, #tpu.memory_space<hbm>> -> memref<16x1024xf32, #tpu.memory_space<hbm>>
      %dma_wait3A_660 = arith.constant 0 : i32
      %dma_wait3A_661 = tpu.memref_slice %arg4[%mul3A_2, %dma_wait3A_660] : memref<16384x1024xf32, #tpu.memory_space<hbm>> -> memref<16x1024xf32, #tpu.memory_space<hbm>>
      %dma_wait3A_662 = arith.constant 0 : i32
      %dma_wait3A_663 = arith.constant 0 : i32
      %dma_wait3A_664 = tpu.memref_slice %arg6[%dma_wait3A_653, %dma_wait3A_662, %dma_wait3A_663] : memref<6x16x1024xf32, #tpu.memory_space<vmem>> -> memref<1x16x1024xf32, #tpu.memory_space<vmem>>
      %dma_wait3A_665 = tpu.memref_squeeze %dma_wait3A_664 : memref<1x16x1024xf32, #tpu.memory_space<vmem>> -> memref<16x1024xf32, #tpu.memory_space<vmem>>
      tpu.wait_dma2 semaphore(%arg17 : memref<!tpu.dma_semaphore, #tpu.memory_space<semaphore_mem>>) src(%dma_wait3A_665 : memref<16x1024xf32, #tpu.memory_space<vmem>>) dst(%dma_wait3A_661 : memref<16x1024xf32, #tpu.memory_space<hbm>>)
      %add3A_666 = arith.constant 4 : i32
      %add3A_667 = arith.addi %add3A_652, %add3A_666 : i32
      %dma_start3A_668 = arith.constant 4 : i32
      %dma_start3A_669 = arith.constant 0 : i32
      %dma_start3A_670 = arith.constant 0 : i32
      %dma_start3A_671 = tpu.memref_slice %arg6[%dma_start3A_668, %dma_start3A_669, %dma_start3A_670] : memref<6x16x1024xf32, #tpu.memory_space<vmem>> -> memref<1x16x1024xf32, #tpu.memory_space<vmem>>
      %dma_start3A_672 = tpu.memref_squeeze %dma_start3A_671 : memref<1x16x1024xf32, #tpu.memory_space<vmem>> -> memref<16x1024xf32, #tpu.memory_space<vmem>>
      %dma_start3A_673 = arith.constant 0 : i32
      %dma_start3A_674 = tpu.memref_slice %arg5[%add3A_667, %dma_start3A_673] : memref<32x16xi32, #tpu.memory_space<vmem>> -> memref<1x16xi32, #tpu.memory_space<vmem>>
      %dma_start3A_675 = tpu.memref_squeeze %dma_start3A_674 : memref<1x16xi32, #tpu.memory_space<vmem>> -> memref<16xi32, #tpu.memory_space<vmem>>
      %dma_start3A_676 = arith.constant 0 : i32
      %dma_start3A_677 = arith.constant 0 : i32
      %dma_start3A_678 = tpu.memref_slice %arg3[%dma_start3A_676, %dma_start3A_677] : memref<100000x1024xf32, #tpu.memory_space<hbm>> -> memref<100000x1024xf32, #tpu.memory_space<hbm>>
      tpu.enqueue_indirect_dma source(%dma_start3A_678 : memref<100000x1024xf32, #tpu.memory_space<hbm>>) target(%dma_start3A_672 : memref<16x1024xf32, #tpu.memory_space<vmem>>) offsets(%dma_start3A_675 : memref<16xi32, #tpu.memory_space<vmem>>) semaphore(%arg11 : memref<!tpu.dma_semaphore, #tpu.memory_space<semaphore_mem>>)
      %dma_wait3A_679 = arith.constant 0 : i32
      %dma_wait3A_680 = arith.constant 0 : i32
      %dma_wait3A_681 = arith.constant 0 : i32
      %dma_wait3A_682 = arith.constant 0 : i32
      %dma_wait3A_683 = tpu.memref_slice %arg6[%dma_wait3A_680, %dma_wait3A_681, %dma_wait3A_682] : memref<6x16x1024xf32, #tpu.memory_space<vmem>> -> memref<1x16x1024xf32, #tpu.memory_space<vmem>>
      %dma_wait3A_684 = tpu.memref_squeeze %dma_wait3A_683 : memref<1x16x1024xf32, #tpu.memory_space<vmem>> -> memref<16x1024xf32, #tpu.memory_space<vmem>>
      %dma_wait3A_685 = arith.constant 0 : i32
      %dma_wait3A_686 = tpu.memref_slice %arg5[%dma_wait3A_679, %dma_wait3A_685] : memref<32x16xi32, #tpu.memory_space<vmem>> -> memref<1x16xi32, #tpu.memory_space<vmem>>
      %dma_wait3A_687 = tpu.memref_squeeze %dma_wait3A_686 : memref<1x16xi32, #tpu.memory_space<vmem>> -> memref<16xi32, #tpu.memory_space<vmem>>
      %dma_wait3A_688 = arith.constant 0 : i32
      %dma_wait3A_689 = arith.constant 0 : i32
      %dma_wait3A_690 = tpu.memref_slice %arg3[%dma_wait3A_688, %dma_wait3A_689] : memref<100000x1024xf32, #tpu.memory_space<hbm>> -> memref<100000x1024xf32, #tpu.memory_space<hbm>>
      tpu.wait_indirect_dma semaphore(%arg7 : memref<!tpu.dma_semaphore, #tpu.memory_space<semaphore_mem>>) src(%dma_wait3A_690 : memref<100000x1024xf32, #tpu.memory_space<hbm>>) dst(%dma_wait3A_684 : memref<16x1024xf32, #tpu.memory_space<vmem>>)
      %mul3A_691 = arith.constant 16 : i32
      %mul3A_692 = arith.muli %add3A_652, %mul3A_691 : i32
      %add3A_693 = arith.addi %mul3A_2, %mul3A_692 : i32
      %dma_start3A_694 = arith.constant 0 : i32
      %dma_start3A_695 = arith.constant 0 : i32
      %dma_start3A_696 = arith.constant 0 : i32
      %dma_start3A_697 = tpu.memref_slice %arg6[%dma_start3A_694, %dma_start3A_695, %dma_start3A_696] : memref<6x16x1024xf32, #tpu.memory_space<vmem>> -> memref<1x16x1024xf32, #tpu.memory_space<vmem>>
      %dma_start3A_698 = tpu.memref_squeeze %dma_start3A_697 : memref<1x16x1024xf32, #tpu.memory_space<vmem>> -> memref<16x1024xf32, #tpu.memory_space<vmem>>
      %dma_start3A_699 = arith.constant 0 : i32
      %dma_start3A_700 = tpu.memref_slice %arg4[%add3A_693, %dma_start3A_699] : memref<16384x1024xf32, #tpu.memory_space<hbm>> -> memref<16x1024xf32, #tpu.memory_space<hbm>>
      %dma_start3A_701 = arith.constant 0 : i32
      %dma_start3A_702 = tpu.memref_slice %arg4[%add3A_693, %dma_start3A_701] : memref<16384x1024xf32, #tpu.memory_space<hbm>> -> memref<16x1024xf32, #tpu.memory_space<hbm>>
      %dma_start3A_703 = arith.constant 0 : i32
      %dma_start3A_704 = arith.constant 0 : i32
      %dma_start3A_705 = tpu.memref_slice %arg6[%dma_start3A_694, %dma_start3A_703, %dma_start3A_704] : memref<6x16x1024xf32, #tpu.memory_space<vmem>> -> memref<1x16x1024xf32, #tpu.memory_space<vmem>>
      %dma_start3A_706 = tpu.memref_squeeze %dma_start3A_705 : memref<1x16x1024xf32, #tpu.memory_space<vmem>> -> memref<16x1024xf32, #tpu.memory_space<vmem>>
      tpu.enqueue_dma source(%dma_start3A_706 : memref<16x1024xf32, #tpu.memory_space<vmem>>) target(%dma_start3A_702 : memref<16x1024xf32, #tpu.memory_space<hbm>>) target_semaphore(%arg13 : memref<!tpu.dma_semaphore, #tpu.memory_space<semaphore_mem>>)
      %add3A_707 = arith.constant 5 : i32
      %add3A_708 = arith.addi %add3A_426, %add3A_707 : i32
      %dma_wait3A_709 = arith.constant 5 : i32
      %dma_wait3A_710 = arith.constant 0 : i32
      %dma_wait3A_711 = arith.constant 0 : i32
      %dma_wait3A_712 = tpu.memref_slice %arg6[%dma_wait3A_709, %dma_wait3A_710, %dma_wait3A_711] : memref<6x16x1024xf32, #tpu.memory_space<vmem>> -> memref<1x16x1024xf32, #tpu.memory_space<vmem>>
      %dma_wait3A_713 = tpu.memref_squeeze %dma_wait3A_712 : memref<1x16x1024xf32, #tpu.memory_space<vmem>> -> memref<16x1024xf32, #tpu.memory_space<vmem>>
      %dma_wait3A_714 = arith.constant 0 : i32
      %dma_wait3A_715 = tpu.memref_slice %arg4[%mul3A_2, %dma_wait3A_714] : memref<16384x1024xf32, #tpu.memory_space<hbm>> -> memref<16x1024xf32, #tpu.memory_space<hbm>>
      %dma_wait3A_716 = arith.constant 0 : i32
      %dma_wait3A_717 = tpu.memref_slice %arg4[%mul3A_2, %dma_wait3A_716] : memref<16384x1024xf32, #tpu.memory_space<hbm>> -> memref<16x1024xf32, #tpu.memory_space<hbm>>
      %dma_wait3A_718 = arith.constant 0 : i32
      %dma_wait3A_719 = arith.constant 0 : i32
      %dma_wait3A_720 = tpu.memref_slice %arg6[%dma_wait3A_709, %dma_wait3A_718, %dma_wait3A_719] : memref<6x16x1024xf32, #tpu.memory_space<vmem>> -> memref<1x16x1024xf32, #tpu.memory_space<vmem>>
      %dma_wait3A_721 = tpu.memref_squeeze %dma_wait3A_720 : memref<1x16x1024xf32, #tpu.memory_space<vmem>> -> memref<16x1024xf32, #tpu.memory_space<vmem>>
      tpu.wait_dma2 semaphore(%arg18 : memref<!tpu.dma_semaphore, #tpu.memory_space<semaphore_mem>>) src(%dma_wait3A_721 : memref<16x1024xf32, #tpu.memory_space<vmem>>) dst(%dma_wait3A_717 : memref<16x1024xf32, #tpu.memory_space<hbm>>)
      %add3A_722 = arith.constant 4 : i32
      %add3A_723 = arith.addi %add3A_708, %add3A_722 : i32
      %dma_start3A_724 = arith.constant 5 : i32
      %dma_start3A_725 = arith.constant 0 : i32
      %dma_start3A_726 = arith.constant 0 : i32
      %dma_start3A_727 = tpu.memref_slice %arg6[%dma_start3A_724, %dma_start3A_725, %dma_start3A_726] : memref<6x16x1024xf32, #tpu.memory_space<vmem>> -> memref<1x16x1024xf32, #tpu.memory_space<vmem>>
      %dma_start3A_728 = tpu.memref_squeeze %dma_start3A_727 : memref<1x16x1024xf32, #tpu.memory_space<vmem>> -> memref<16x1024xf32, #tpu.memory_space<vmem>>
      %dma_start3A_729 = arith.constant 0 : i32
      %dma_start3A_730 = tpu.memref_slice %arg5[%add3A_723, %dma_start3A_729] : memref<32x16xi32, #tpu.memory_space<vmem>> -> memref<1x16xi32, #tpu.memory_space<vmem>>
      %dma_start3A_731 = tpu.memref_squeeze %dma_start3A_730 : memref<1x16xi32, #tpu.memory_space<vmem>> -> memref<16xi32, #tpu.memory_space<vmem>>
      %dma_start3A_732 = arith.constant 0 : i32
      %dma_start3A_733 = arith.constant 0 : i32
      %dma_start3A_734 = tpu.memref_slice %arg3[%dma_start3A_732, %dma_start3A_733] : memref<100000x1024xf32, #tpu.memory_space<hbm>> -> memref<100000x1024xf32, #tpu.memory_space<hbm>>
      tpu.enqueue_indirect_dma source(%dma_start3A_734 : memref<100000x1024xf32, #tpu.memory_space<hbm>>) target(%dma_start3A_728 : memref<16x1024xf32, #tpu.memory_space<vmem>>) offsets(%dma_start3A_731 : memref<16xi32, #tpu.memory_space<vmem>>) semaphore(%arg12 : memref<!tpu.dma_semaphore, #tpu.memory_space<semaphore_mem>>)
      %dma_wait3A_735 = arith.constant 0 : i32
      %dma_wait3A_736 = arith.constant 1 : i32
      %dma_wait3A_737 = arith.constant 0 : i32
      %dma_wait3A_738 = arith.constant 0 : i32
      %dma_wait3A_739 = tpu.memref_slice %arg6[%dma_wait3A_736, %dma_wait3A_737, %dma_wait3A_738] : memref<6x16x1024xf32, #tpu.memory_space<vmem>> -> memref<1x16x1024xf32, #tpu.memory_space<vmem>>
      %dma_wait3A_740 = tpu.memref_squeeze %dma_wait3A_739 : memref<1x16x1024xf32, #tpu.memory_space<vmem>> -> memref<16x1024xf32, #tpu.memory_space<vmem>>
      %dma_wait3A_741 = arith.constant 0 : i32
      %dma_wait3A_742 = tpu.memref_slice %arg5[%dma_wait3A_735, %dma_wait3A_741] : memref<32x16xi32, #tpu.memory_space<vmem>> -> memref<1x16xi32, #tpu.memory_space<vmem>>
      %dma_wait3A_743 = tpu.memref_squeeze %dma_wait3A_742 : memref<1x16xi32, #tpu.memory_space<vmem>> -> memref<16xi32, #tpu.memory_space<vmem>>
      %dma_wait3A_744 = arith.constant 0 : i32
      %dma_wait3A_745 = arith.constant 0 : i32
      %dma_wait3A_746 = tpu.memref_slice %arg3[%dma_wait3A_744, %dma_wait3A_745] : memref<100000x1024xf32, #tpu.memory_space<hbm>> -> memref<100000x1024xf32, #tpu.memory_space<hbm>>
      tpu.wait_indirect_dma semaphore(%arg8 : memref<!tpu.dma_semaphore, #tpu.memory_space<semaphore_mem>>) src(%dma_wait3A_746 : memref<100000x1024xf32, #tpu.memory_space<hbm>>) dst(%dma_wait3A_740 : memref<16x1024xf32, #tpu.memory_space<vmem>>)
      %mul3A_747 = arith.constant 16 : i32
      %mul3A_748 = arith.muli %add3A_708, %mul3A_747 : i32
      %add3A_749 = arith.addi %mul3A_2, %mul3A_748 : i32
      %dma_start3A_750 = arith.constant 1 : i32
      %dma_start3A_751 = arith.constant 0 : i32
      %dma_start3A_752 = arith.constant 0 : i32
      %dma_start3A_753 = tpu.memref_slice %arg6[%dma_start3A_750, %dma_start3A_751, %dma_start3A_752] : memref<6x16x1024xf32, #tpu.memory_space<vmem>> -> memref<1x16x1024xf32, #tpu.memory_space<vmem>>
      %dma_start3A_754 = tpu.memref_squeeze %dma_start3A_753 : memref<1x16x1024xf32, #tpu.memory_space<vmem>> -> memref<16x1024xf32, #tpu.memory_space<vmem>>
      %dma_start3A_755 = arith.constant 0 : i32
      %dma_start3A_756 = tpu.memref_slice %arg4[%add3A_749, %dma_start3A_755] : memref<16384x1024xf32, #tpu.memory_space<hbm>> -> memref<16x1024xf32, #tpu.memory_space<hbm>>
      %dma_start3A_757 = arith.constant 0 : i32
      %dma_start3A_758 = tpu.memref_slice %arg4[%add3A_749, %dma_start3A_757] : memref<16384x1024xf32, #tpu.memory_space<hbm>> -> memref<16x1024xf32, #tpu.memory_space<hbm>>
      %dma_start3A_759 = arith.constant 0 : i32
      %dma_start3A_760 = arith.constant 0 : i32
      %dma_start3A_761 = tpu.memref_slice %arg6[%dma_start3A_750, %dma_start3A_759, %dma_start3A_760] : memref<6x16x1024xf32, #tpu.memory_space<vmem>> -> memref<1x16x1024xf32, #tpu.memory_space<vmem>>
      %dma_start3A_762 = tpu.memref_squeeze %dma_start3A_761 : memref<1x16x1024xf32, #tpu.memory_space<vmem>> -> memref<16x1024xf32, #tpu.memory_space<vmem>>
      tpu.enqueue_dma source(%dma_start3A_762 : memref<16x1024xf32, #tpu.memory_space<vmem>>) target(%dma_start3A_758 : memref<16x1024xf32, #tpu.memory_space<hbm>>) target_semaphore(%arg14 : memref<!tpu.dma_semaphore, #tpu.memory_space<semaphore_mem>>)
    }
    %scan3A_131 = arith.constant 4 : i32
    %dma_wait3A_132 = arith.constant 0 : i32
    %dma_wait3A_133 = arith.constant 0 : i32
    %dma_wait3A_134 = arith.constant 0 : i32
    %dma_wait3A_135 = tpu.memref_slice %arg6[%dma_wait3A_132, %dma_wait3A_133, %dma_wait3A_134] : memref<6x16x1024xf32, #tpu.memory_space<vmem>> -> memref<1x16x1024xf32, #tpu.memory_space<vmem>>
    %dma_wait3A_136 = tpu.memref_squeeze %dma_wait3A_135 : memref<1x16x1024xf32, #tpu.memory_space<vmem>> -> memref<16x1024xf32, #tpu.memory_space<vmem>>
    %dma_wait3A_137 = arith.constant 0 : i32
    %dma_wait3A_138 = tpu.memref_slice %arg4[%mul3A_2, %dma_wait3A_137] : memref<16384x1024xf32, #tpu.memory_space<hbm>> -> memref<16x1024xf32, #tpu.memory_space<hbm>>
    %dma_wait3A_139 = arith.constant 0 : i32
    %dma_wait3A_140 = tpu.memref_slice %arg4[%mul3A_2, %dma_wait3A_139] : memref<16384x1024xf32, #tpu.memory_space<hbm>> -> memref<16x1024xf32, #tpu.memory_space<hbm>>
    %dma_wait3A_141 = arith.constant 0 : i32
    %dma_wait3A_142 = arith.constant 0 : i32
    %dma_wait3A_143 = tpu.memref_slice %arg6[%dma_wait3A_132, %dma_wait3A_141, %dma_wait3A_142] : memref<6x16x1024xf32, #tpu.memory_space<vmem>> -> memref<1x16x1024xf32, #tpu.memory_space<vmem>>
    %dma_wait3A_144 = tpu.memref_squeeze %dma_wait3A_143 : memref<1x16x1024xf32, #tpu.memory_space<vmem>> -> memref<16x1024xf32, #tpu.memory_space<vmem>>
    tpu.wait_dma2 semaphore(%arg13 : memref<!tpu.dma_semaphore, #tpu.memory_space<semaphore_mem>>) src(%dma_wait3A_144 : memref<16x1024xf32, #tpu.memory_space<vmem>>) dst(%dma_wait3A_140 : memref<16x1024xf32, #tpu.memory_space<hbm>>)
    %dma_start3A_145 = arith.constant 30 : i32
    %dma_start3A_146 = arith.constant 0 : i32
    %dma_start3A_147 = arith.constant 0 : i32
    %dma_start3A_148 = arith.constant 0 : i32
    %dma_start3A_149 = tpu.memref_slice %arg6[%dma_start3A_146, %dma_start3A_147, %dma_start3A_148] : memref<6x16x1024xf32, #tpu.memory_space<vmem>> -> memref<1x16x1024xf32, #tpu.memory_space<vmem>>
    %dma_start3A_150 = tpu.memref_squeeze %dma_start3A_149 : memref<1x16x1024xf32, #tpu.memory_space<vmem>> -> memref<16x1024xf32, #tpu.memory_space<vmem>>
    %dma_start3A_151 = arith.constant 0 : i32
    %dma_start3A_152 = tpu.memref_slice %arg5[%dma_start3A_145, %dma_start3A_151] : memref<32x16xi32, #tpu.memory_space<vmem>> -> memref<1x16xi32, #tpu.memory_space<vmem>>
    %dma_start3A_153 = tpu.memref_squeeze %dma_start3A_152 : memref<1x16xi32, #tpu.memory_space<vmem>> -> memref<16xi32, #tpu.memory_space<vmem>>
    %dma_start3A_154 = arith.constant 0 : i32
    %dma_start3A_155 = arith.constant 0 : i32
    %dma_start3A_156 = tpu.memref_slice %arg3[%dma_start3A_154, %dma_start3A_155] : memref<100000x1024xf32, #tpu.memory_space<hbm>> -> memref<100000x1024xf32, #tpu.memory_space<hbm>>
    tpu.enqueue_indirect_dma source(%dma_start3A_156 : memref<100000x1024xf32, #tpu.memory_space<hbm>>) target(%dma_start3A_150 : memref<16x1024xf32, #tpu.memory_space<vmem>>) offsets(%dma_start3A_153 : memref<16xi32, #tpu.memory_space<vmem>>) semaphore(%arg7 : memref<!tpu.dma_semaphore, #tpu.memory_space<semaphore_mem>>)
    %dma_wait3A_157 = arith.constant 0 : i32
    %dma_wait3A_158 = arith.constant 2 : i32
    %dma_wait3A_159 = arith.constant 0 : i32
    %dma_wait3A_160 = arith.constant 0 : i32
    %dma_wait3A_161 = tpu.memref_slice %arg6[%dma_wait3A_158, %dma_wait3A_159, %dma_wait3A_160] : memref<6x16x1024xf32, #tpu.memory_space<vmem>> -> memref<1x16x1024xf32, #tpu.memory_space<vmem>>
    %dma_wait3A_162 = tpu.memref_squeeze %dma_wait3A_161 : memref<1x16x1024xf32, #tpu.memory_space<vmem>> -> memref<16x1024xf32, #tpu.memory_space<vmem>>
    %dma_wait3A_163 = arith.constant 0 : i32
    %dma_wait3A_164 = tpu.memref_slice %arg5[%dma_wait3A_157, %dma_wait3A_163] : memref<32x16xi32, #tpu.memory_space<vmem>> -> memref<1x16xi32, #tpu.memory_space<vmem>>
    %dma_wait3A_165 = tpu.memref_squeeze %dma_wait3A_164 : memref<1x16xi32, #tpu.memory_space<vmem>> -> memref<16xi32, #tpu.memory_space<vmem>>
    %dma_wait3A_166 = arith.constant 0 : i32
    %dma_wait3A_167 = arith.constant 0 : i32
    %dma_wait3A_168 = tpu.memref_slice %arg3[%dma_wait3A_166, %dma_wait3A_167] : memref<100000x1024xf32, #tpu.memory_space<hbm>> -> memref<100000x1024xf32, #tpu.memory_space<hbm>>
    tpu.wait_indirect_dma semaphore(%arg9 : memref<!tpu.dma_semaphore, #tpu.memory_space<semaphore_mem>>) src(%dma_wait3A_168 : memref<100000x1024xf32, #tpu.memory_space<hbm>>) dst(%dma_wait3A_162 : memref<16x1024xf32, #tpu.memory_space<vmem>>)
    %add3A_169 = arith.constant 416 : i32
    %add3A_170 = arith.addi %mul3A_2, %add3A_169 : i32
    %dma_start3A_171 = arith.constant 2 : i32
    %dma_start3A_172 = arith.constant 0 : i32
    %dma_start3A_173 = arith.constant 0 : i32
    %dma_start3A_174 = tpu.memref_slice %arg6[%dma_start3A_171, %dma_start3A_172, %dma_start3A_173] : memref<6x16x1024xf32, #tpu.memory_space<vmem>> -> memref<1x16x1024xf32, #tpu.memory_space<vmem>>
    %dma_start3A_175 = tpu.memref_squeeze %dma_start3A_174 : memref<1x16x1024xf32, #tpu.memory_space<vmem>> -> memref<16x1024xf32, #tpu.memory_space<vmem>>
    %dma_start3A_176 = arith.constant 0 : i32
    %dma_start3A_177 = tpu.memref_slice %arg4[%add3A_170, %dma_start3A_176] : memref<16384x1024xf32, #tpu.memory_space<hbm>> -> memref<16x1024xf32, #tpu.memory_space<hbm>>
    %dma_start3A_178 = arith.constant 0 : i32
    %dma_start3A_179 = tpu.memref_slice %arg4[%add3A_170, %dma_start3A_178] : memref<16384x1024xf32, #tpu.memory_space<hbm>> -> memref<16x1024xf32, #tpu.memory_space<hbm>>
    %dma_start3A_180 = arith.constant 0 : i32
    %dma_start3A_181 = arith.constant 0 : i32
    %dma_start3A_182 = tpu.memref_slice %arg6[%dma_start3A_171, %dma_start3A_180, %dma_start3A_181] : memref<6x16x1024xf32, #tpu.memory_space<vmem>> -> memref<1x16x1024xf32, #tpu.memory_space<vmem>>
    %dma_start3A_183 = tpu.memref_squeeze %dma_start3A_182 : memref<1x16x1024xf32, #tpu.memory_space<vmem>> -> memref<16x1024xf32, #tpu.memory_space<vmem>>
    tpu.enqueue_dma source(%dma_start3A_183 : memref<16x1024xf32, #tpu.memory_space<vmem>>) target(%dma_start3A_179 : memref<16x1024xf32, #tpu.memory_space<hbm>>) target_semaphore(%arg15 : memref<!tpu.dma_semaphore, #tpu.memory_space<semaphore_mem>>)
    %dma_wait3A_184 = arith.constant 1 : i32
    %dma_wait3A_185 = arith.constant 0 : i32
    %dma_wait3A_186 = arith.constant 0 : i32
    %dma_wait3A_187 = tpu.memref_slice %arg6[%dma_wait3A_184, %dma_wait3A_185, %dma_wait3A_186] : memref<6x16x1024xf32, #tpu.memory_space<vmem>> -> memref<1x16x1024xf32, #tpu.memory_space<vmem>>
    %dma_wait3A_188 = tpu.memref_squeeze %dma_wait3A_187 : memref<1x16x1024xf32, #tpu.memory_space<vmem>> -> memref<16x1024xf32, #tpu.memory_space<vmem>>
    %dma_wait3A_189 = arith.constant 0 : i32
    %dma_wait3A_190 = tpu.memref_slice %arg4[%mul3A_2, %dma_wait3A_189] : memref<16384x1024xf32, #tpu.memory_space<hbm>> -> memref<16x1024xf32, #tpu.memory_space<hbm>>
    %dma_wait3A_191 = arith.constant 0 : i32
    %dma_wait3A_192 = tpu.memref_slice %arg4[%mul3A_2, %dma_wait3A_191] : memref<16384x1024xf32, #tpu.memory_space<hbm>> -> memref<16x1024xf32, #tpu.memory_space<hbm>>
    %dma_wait3A_193 = arith.constant 0 : i32
    %dma_wait3A_194 = arith.constant 0 : i32
    %dma_wait3A_195 = tpu.memref_slice %arg6[%dma_wait3A_184, %dma_wait3A_193, %dma_wait3A_194] : memref<6x16x1024xf32, #tpu.memory_space<vmem>> -> memref<1x16x1024xf32, #tpu.memory_space<vmem>>
    %dma_wait3A_196 = tpu.memref_squeeze %dma_wait3A_195 : memref<1x16x1024xf32, #tpu.memory_space<vmem>> -> memref<16x1024xf32, #tpu.memory_space<vmem>>
    tpu.wait_dma2 semaphore(%arg14 : memref<!tpu.dma_semaphore, #tpu.memory_space<semaphore_mem>>) src(%dma_wait3A_196 : memref<16x1024xf32, #tpu.memory_space<vmem>>) dst(%dma_wait3A_192 : memref<16x1024xf32, #tpu.memory_space<hbm>>)
    %dma_start3A_197 = arith.constant 31 : i32
    %dma_start3A_198 = arith.constant 1 : i32
    %dma_start3A_199 = arith.constant 0 : i32
    %dma_start3A_200 = arith.constant 0 : i32
    %dma_start3A_201 = tpu.memref_slice %arg6[%dma_start3A_198, %dma_start3A_199, %dma_start3A_200] : memref<6x16x1024xf32, #tpu.memory_space<vmem>> -> memref<1x16x1024xf32, #tpu.memory_space<vmem>>
    %dma_start3A_202 = tpu.memref_squeeze %dma_start3A_201 : memref<1x16x1024xf32, #tpu.memory_space<vmem>> -> memref<16x1024xf32, #tpu.memory_space<vmem>>
    %dma_start3A_203 = arith.constant 0 : i32
    %dma_start3A_204 = tpu.memref_slice %arg5[%dma_start3A_197, %dma_start3A_203] : memref<32x16xi32, #tpu.memory_space<vmem>> -> memref<1x16xi32, #tpu.memory_space<vmem>>
    %dma_start3A_205 = tpu.memref_squeeze %dma_start3A_204 : memref<1x16xi32, #tpu.memory_space<vmem>> -> memref<16xi32, #tpu.memory_space<vmem>>
    %dma_start3A_206 = arith.constant 0 : i32
    %dma_start3A_207 = arith.constant 0 : i32
    %dma_start3A_208 = tpu.memref_slice %arg3[%dma_start3A_206, %dma_start3A_207] : memref<100000x1024xf32, #tpu.memory_space<hbm>> -> memref<100000x1024xf32, #tpu.memory_space<hbm>>
    tpu.enqueue_indirect_dma source(%dma_start3A_208 : memref<100000x1024xf32, #tpu.memory_space<hbm>>) target(%dma_start3A_202 : memref<16x1024xf32, #tpu.memory_space<vmem>>) offsets(%dma_start3A_205 : memref<16xi32, #tpu.memory_space<vmem>>) semaphore(%arg8 : memref<!tpu.dma_semaphore, #tpu.memory_space<semaphore_mem>>)
    %dma_wait3A_209 = arith.constant 0 : i32
    %dma_wait3A_210 = arith.constant 3 : i32
    %dma_wait3A_211 = arith.constant 0 : i32
    %dma_wait3A_212 = arith.constant 0 : i32
    %dma_wait3A_213 = tpu.memref_slice %arg6[%dma_wait3A_210, %dma_wait3A_211, %dma_wait3A_212] : memref<6x16x1024xf32, #tpu.memory_space<vmem>> -> memref<1x16x1024xf32, #tpu.memory_space<vmem>>
    %dma_wait3A_214 = tpu.memref_squeeze %dma_wait3A_213 : memref<1x16x1024xf32, #tpu.memory_space<vmem>> -> memref<16x1024xf32, #tpu.memory_space<vmem>>
    %dma_wait3A_215 = arith.constant 0 : i32
    %dma_wait3A_216 = tpu.memref_slice %arg5[%dma_wait3A_209, %dma_wait3A_215] : memref<32x16xi32, #tpu.memory_space<vmem>> -> memref<1x16xi32, #tpu.memory_space<vmem>>
    %dma_wait3A_217 = tpu.memref_squeeze %dma_wait3A_216 : memref<1x16xi32, #tpu.memory_space<vmem>> -> memref<16xi32, #tpu.memory_space<vmem>>
    %dma_wait3A_218 = arith.constant 0 : i32
    %dma_wait3A_219 = arith.constant 0 : i32
    %dma_wait3A_220 = tpu.memref_slice %arg3[%dma_wait3A_218, %dma_wait3A_219] : memref<100000x1024xf32, #tpu.memory_space<hbm>> -> memref<100000x1024xf32, #tpu.memory_space<hbm>>
    tpu.wait_indirect_dma semaphore(%arg10 : memref<!tpu.dma_semaphore, #tpu.memory_space<semaphore_mem>>) src(%dma_wait3A_220 : memref<100000x1024xf32, #tpu.memory_space<hbm>>) dst(%dma_wait3A_214 : memref<16x1024xf32, #tpu.memory_space<vmem>>)
    %add3A_221 = arith.constant 432 : i32
    %add3A_222 = arith.addi %mul3A_2, %add3A_221 : i32
    %dma_start3A_223 = arith.constant 3 : i32
    %dma_start3A_224 = arith.constant 0 : i32
    %dma_start3A_225 = arith.constant 0 : i32
    %dma_start3A_226 = tpu.memref_slice %arg6[%dma_start3A_223, %dma_start3A_224, %dma_start3A_225] : memref<6x16x1024xf32, #tpu.memory_space<vmem>> -> memref<1x16x1024xf32, #tpu.memory_space<vmem>>
    %dma_start3A_227 = tpu.memref_squeeze %dma_start3A_226 : memref<1x16x1024xf32, #tpu.memory_space<vmem>> -> memref<16x1024xf32, #tpu.memory_space<vmem>>
    %dma_start3A_228 = arith.constant 0 : i32
    %dma_start3A_229 = tpu.memref_slice %arg4[%add3A_222, %dma_start3A_228] : memref<16384x1024xf32, #tpu.memory_space<hbm>> -> memref<16x1024xf32, #tpu.memory_space<hbm>>
    %dma_start3A_230 = arith.constant 0 : i32
    %dma_start3A_231 = tpu.memref_slice %arg4[%add3A_222, %dma_start3A_230] : memref<16384x1024xf32, #tpu.memory_space<hbm>> -> memref<16x1024xf32, #tpu.memory_space<hbm>>
    %dma_start3A_232 = arith.constant 0 : i32
    %dma_start3A_233 = arith.constant 0 : i32
    %dma_start3A_234 = tpu.memref_slice %arg6[%dma_start3A_223, %dma_start3A_232, %dma_start3A_233] : memref<6x16x1024xf32, #tpu.memory_space<vmem>> -> memref<1x16x1024xf32, #tpu.memory_space<vmem>>
    %dma_start3A_235 = tpu.memref_squeeze %dma_start3A_234 : memref<1x16x1024xf32, #tpu.memory_space<vmem>> -> memref<16x1024xf32, #tpu.memory_space<vmem>>
    tpu.enqueue_dma source(%dma_start3A_235 : memref<16x1024xf32, #tpu.memory_space<vmem>>) target(%dma_start3A_231 : memref<16x1024xf32, #tpu.memory_space<hbm>>) target_semaphore(%arg16 : memref<!tpu.dma_semaphore, #tpu.memory_space<semaphore_mem>>)
    %dma_wait3A_236 = arith.constant 0 : i32
    %dma_wait3A_237 = arith.constant 4 : i32
    %dma_wait3A_238 = arith.constant 0 : i32
    %dma_wait3A_239 = arith.constant 0 : i32
    %dma_wait3A_240 = tpu.memref_slice %arg6[%dma_wait3A_237, %dma_wait3A_238, %dma_wait3A_239] : memref<6x16x1024xf32, #tpu.memory_space<vmem>> -> memref<1x16x1024xf32, #tpu.memory_space<vmem>>
    %dma_wait3A_241 = tpu.memref_squeeze %dma_wait3A_240 : memref<1x16x1024xf32, #tpu.memory_space<vmem>> -> memref<16x1024xf32, #tpu.memory_space<vmem>>
    %dma_wait3A_242 = arith.constant 0 : i32
    %dma_wait3A_243 = tpu.memref_slice %arg5[%dma_wait3A_236, %dma_wait3A_242] : memref<32x16xi32, #tpu.memory_space<vmem>> -> memref<1x16xi32, #tpu.memory_space<vmem>>
    %dma_wait3A_244 = tpu.memref_squeeze %dma_wait3A_243 : memref<1x16xi32, #tpu.memory_space<vmem>> -> memref<16xi32, #tpu.memory_space<vmem>>
    %dma_wait3A_245 = arith.constant 0 : i32
    %dma_wait3A_246 = arith.constant 0 : i32
    %dma_wait3A_247 = tpu.memref_slice %arg3[%dma_wait3A_245, %dma_wait3A_246] : memref<100000x1024xf32, #tpu.memory_space<hbm>> -> memref<100000x1024xf32, #tpu.memory_space<hbm>>
    tpu.wait_indirect_dma semaphore(%arg11 : memref<!tpu.dma_semaphore, #tpu.memory_space<semaphore_mem>>) src(%dma_wait3A_247 : memref<100000x1024xf32, #tpu.memory_space<hbm>>) dst(%dma_wait3A_241 : memref<16x1024xf32, #tpu.memory_space<vmem>>)
    %add3A_248 = arith.constant 448 : i32
    %add3A_249 = arith.addi %mul3A_2, %add3A_248 : i32
    %dma_start3A_250 = arith.constant 4 : i32
    %dma_start3A_251 = arith.constant 0 : i32
    %dma_start3A_252 = arith.constant 0 : i32
    %dma_start3A_253 = tpu.memref_slice %arg6[%dma_start3A_250, %dma_start3A_251, %dma_start3A_252] : memref<6x16x1024xf32, #tpu.memory_space<vmem>> -> memref<1x16x1024xf32, #tpu.memory_space<vmem>>
    %dma_start3A_254 = tpu.memref_squeeze %dma_start3A_253 : memref<1x16x1024xf32, #tpu.memory_space<vmem>> -> memref<16x1024xf32, #tpu.memory_space<vmem>>
    %dma_start3A_255 = arith.constant 0 : i32
    %dma_start3A_256 = tpu.memref_slice %arg4[%add3A_249, %dma_start3A_255] : memref<16384x1024xf32, #tpu.memory_space<hbm>> -> memref<16x1024xf32, #tpu.memory_space<hbm>>
    %dma_start3A_257 = arith.constant 0 : i32
    %dma_start3A_258 = tpu.memref_slice %arg4[%add3A_249, %dma_start3A_257] : memref<16384x1024xf32, #tpu.memory_space<hbm>> -> memref<16x1024xf32, #tpu.memory_space<hbm>>
    %dma_start3A_259 = arith.constant 0 : i32
    %dma_start3A_260 = arith.constant 0 : i32
    %dma_start3A_261 = tpu.memref_slice %arg6[%dma_start3A_250, %dma_start3A_259, %dma_start3A_260] : memref<6x16x1024xf32, #tpu.memory_space<vmem>> -> memref<1x16x1024xf32, #tpu.memory_space<vmem>>
    %dma_start3A_262 = tpu.memref_squeeze %dma_start3A_261 : memref<1x16x1024xf32, #tpu.memory_space<vmem>> -> memref<16x1024xf32, #tpu.memory_space<vmem>>
    tpu.enqueue_dma source(%dma_start3A_262 : memref<16x1024xf32, #tpu.memory_space<vmem>>) target(%dma_start3A_258 : memref<16x1024xf32, #tpu.memory_space<hbm>>) target_semaphore(%arg17 : memref<!tpu.dma_semaphore, #tpu.memory_space<semaphore_mem>>)
    %dma_wait3A_263 = arith.constant 0 : i32
    %dma_wait3A_264 = arith.constant 5 : i32
    %dma_wait3A_265 = arith.constant 0 : i32
    %dma_wait3A_266 = arith.constant 0 : i32
    %dma_wait3A_267 = tpu.memref_slice %arg6[%dma_wait3A_264, %dma_wait3A_265, %dma_wait3A_266] : memref<6x16x1024xf32, #tpu.memory_space<vmem>> -> memref<1x16x1024xf32, #tpu.memory_space<vmem>>
    %dma_wait3A_268 = tpu.memref_squeeze %dma_wait3A_267 : memref<1x16x1024xf32, #tpu.memory_space<vmem>> -> memref<16x1024xf32, #tpu.memory_space<vmem>>
    %dma_wait3A_269 = arith.constant 0 : i32
    %dma_wait3A_270 = tpu.memref_slice %arg5[%dma_wait3A_263, %dma_wait3A_269] : memref<32x16xi32, #tpu.memory_space<vmem>> -> memref<1x16xi32, #tpu.memory_space<vmem>>
    %dma_wait3A_271 = tpu.memref_squeeze %dma_wait3A_270 : memref<1x16xi32, #tpu.memory_space<vmem>> -> memref<16xi32, #tpu.memory_space<vmem>>
    %dma_wait3A_272 = arith.constant 0 : i32
    %dma_wait3A_273 = arith.constant 0 : i32
    %dma_wait3A_274 = tpu.memref_slice %arg3[%dma_wait3A_272, %dma_wait3A_273] : memref<100000x1024xf32, #tpu.memory_space<hbm>> -> memref<100000x1024xf32, #tpu.memory_space<hbm>>
    tpu.wait_indirect_dma semaphore(%arg12 : memref<!tpu.dma_semaphore, #tpu.memory_space<semaphore_mem>>) src(%dma_wait3A_274 : memref<100000x1024xf32, #tpu.memory_space<hbm>>) dst(%dma_wait3A_268 : memref<16x1024xf32, #tpu.memory_space<vmem>>)
    %add3A_275 = arith.constant 464 : i32
    %add3A_276 = arith.addi %mul3A_2, %add3A_275 : i32
    %dma_start3A_277 = arith.constant 5 : i32
    %dma_start3A_278 = arith.constant 0 : i32
    %dma_start3A_279 = arith.constant 0 : i32
    %dma_start3A_280 = tpu.memref_slice %arg6[%dma_start3A_277, %dma_start3A_278, %dma_start3A_279] : memref<6x16x1024xf32, #tpu.memory_space<vmem>> -> memref<1x16x1024xf32, #tpu.memory_space<vmem>>
    %dma_start3A_281 = tpu.memref_squeeze %dma_start3A_280 : memref<1x16x1024xf32, #tpu.memory_space<vmem>> -> memref<16x1024xf32, #tpu.memory_space<vmem>>
    %dma_start3A_282 = arith.constant 0 : i32
    %dma_start3A_283 = tpu.memref_slice %arg4[%add3A_276, %dma_start3A_282] : memref<16384x1024xf32, #tpu.memory_space<hbm>> -> memref<16x1024xf32, #tpu.memory_space<hbm>>
    %dma_start3A_284 = arith.constant 0 : i32
    %dma_start3A_285 = tpu.memref_slice %arg4[%add3A_276, %dma_start3A_284] : memref<16384x1024xf32, #tpu.memory_space<hbm>> -> memref<16x1024xf32, #tpu.memory_space<hbm>>
    %dma_start3A_286 = arith.constant 0 : i32
    %dma_start3A_287 = arith.constant 0 : i32
    %dma_start3A_288 = tpu.memref_slice %arg6[%dma_start3A_277, %dma_start3A_286, %dma_start3A_287] : memref<6x16x1024xf32, #tpu.memory_space<vmem>> -> memref<1x16x1024xf32, #tpu.memory_space<vmem>>
    %dma_start3A_289 = tpu.memref_squeeze %dma_start3A_288 : memref<1x16x1024xf32, #tpu.memory_space<vmem>> -> memref<16x1024xf32, #tpu.memory_space<vmem>>
    tpu.enqueue_dma source(%dma_start3A_289 : memref<16x1024xf32, #tpu.memory_space<vmem>>) target(%dma_start3A_285 : memref<16x1024xf32, #tpu.memory_space<hbm>>) target_semaphore(%arg18 : memref<!tpu.dma_semaphore, #tpu.memory_space<semaphore_mem>>)
    %dma_wait3A_290 = arith.constant 0 : i32
    %dma_wait3A_291 = arith.constant 0 : i32
    %dma_wait3A_292 = arith.constant 0 : i32
    %dma_wait3A_293 = arith.constant 0 : i32
    %dma_wait3A_294 = tpu.memref_slice %arg6[%dma_wait3A_291, %dma_wait3A_292, %dma_wait3A_293] : memref<6x16x1024xf32, #tpu.memory_space<vmem>> -> memref<1x16x1024xf32, #tpu.memory_space<vmem>>
    %dma_wait3A_295 = tpu.memref_squeeze %dma_wait3A_294 : memref<1x16x1024xf32, #tpu.memory_space<vmem>> -> memref<16x1024xf32, #tpu.memory_space<vmem>>
    %dma_wait3A_296 = arith.constant 0 : i32
    %dma_wait3A_297 = tpu.memref_slice %arg5[%dma_wait3A_290, %dma_wait3A_296] : memref<32x16xi32, #tpu.memory_space<vmem>> -> memref<1x16xi32, #tpu.memory_space<vmem>>
    %dma_wait3A_298 = tpu.memref_squeeze %dma_wait3A_297 : memref<1x16xi32, #tpu.memory_space<vmem>> -> memref<16xi32, #tpu.memory_space<vmem>>
    %dma_wait3A_299 = arith.constant 0 : i32
    %dma_wait3A_300 = arith.constant 0 : i32
    %dma_wait3A_301 = tpu.memref_slice %arg3[%dma_wait3A_299, %dma_wait3A_300] : memref<100000x1024xf32, #tpu.memory_space<hbm>> -> memref<100000x1024xf32, #tpu.memory_space<hbm>>
    tpu.wait_indirect_dma semaphore(%arg7 : memref<!tpu.dma_semaphore, #tpu.memory_space<semaphore_mem>>) src(%dma_wait3A_301 : memref<100000x1024xf32, #tpu.memory_space<hbm>>) dst(%dma_wait3A_295 : memref<16x1024xf32, #tpu.memory_space<vmem>>)
    %add3A_302 = arith.constant 480 : i32
    %add3A_303 = arith.addi %mul3A_2, %add3A_302 : i32
    %dma_start3A_304 = arith.constant 0 : i32
    %dma_start3A_305 = arith.constant 0 : i32
    %dma_start3A_306 = arith.constant 0 : i32
    %dma_start3A_307 = tpu.memref_slice %arg6[%dma_start3A_304, %dma_start3A_305, %dma_start3A_306] : memref<6x16x1024xf32, #tpu.memory_space<vmem>> -> memref<1x16x1024xf32, #tpu.memory_space<vmem>>
    %dma_start3A_308 = tpu.memref_squeeze %dma_start3A_307 : memref<1x16x1024xf32, #tpu.memory_space<vmem>> -> memref<16x1024xf32, #tpu.memory_space<vmem>>
    %dma_start3A_309 = arith.constant 0 : i32
    %dma_start3A_310 = tpu.memref_slice %arg4[%add3A_303, %dma_start3A_309] : memref<16384x1024xf32, #tpu.memory_space<hbm>> -> memref<16x1024xf32, #tpu.memory_space<hbm>>
    %dma_start3A_311 = arith.constant 0 : i32
    %dma_start3A_312 = tpu.memref_slice %arg4[%add3A_303, %dma_start3A_311] : memref<16384x1024xf32, #tpu.memory_space<hbm>> -> memref<16x1024xf32, #tpu.memory_space<hbm>>
    %dma_start3A_313 = arith.constant 0 : i32
    %dma_start3A_314 = arith.constant 0 : i32
    %dma_start3A_315 = tpu.memref_slice %arg6[%dma_start3A_304, %dma_start3A_313, %dma_start3A_314] : memref<6x16x1024xf32, #tpu.memory_space<vmem>> -> memref<1x16x1024xf32, #tpu.memory_space<vmem>>
    %dma_start3A_316 = tpu.memref_squeeze %dma_start3A_315 : memref<1x16x1024xf32, #tpu.memory_space<vmem>> -> memref<16x1024xf32, #tpu.memory_space<vmem>>
    tpu.enqueue_dma source(%dma_start3A_316 : memref<16x1024xf32, #tpu.memory_space<vmem>>) target(%dma_start3A_312 : memref<16x1024xf32, #tpu.memory_space<hbm>>) target_semaphore(%arg13 : memref<!tpu.dma_semaphore, #tpu.memory_space<semaphore_mem>>)
    %dma_wait3A_317 = arith.constant 0 : i32
    %dma_wait3A_318 = arith.constant 1 : i32
    %dma_wait3A_319 = arith.constant 0 : i32
    %dma_wait3A_320 = arith.constant 0 : i32
    %dma_wait3A_321 = tpu.memref_slice %arg6[%dma_wait3A_318, %dma_wait3A_319, %dma_wait3A_320] : memref<6x16x1024xf32, #tpu.memory_space<vmem>> -> memref<1x16x1024xf32, #tpu.memory_space<vmem>>
    %dma_wait3A_322 = tpu.memref_squeeze %dma_wait3A_321 : memref<1x16x1024xf32, #tpu.memory_space<vmem>> -> memref<16x1024xf32, #tpu.memory_space<vmem>>
    %dma_wait3A_323 = arith.constant 0 : i32
    %dma_wait3A_324 = tpu.memref_slice %arg5[%dma_wait3A_317, %dma_wait3A_323] : memref<32x16xi32, #tpu.memory_space<vmem>> -> memref<1x16xi32, #tpu.memory_space<vmem>>
    %dma_wait3A_325 = tpu.memref_squeeze %dma_wait3A_324 : memref<1x16xi32, #tpu.memory_space<vmem>> -> memref<16xi32, #tpu.memory_space<vmem>>
    %dma_wait3A_326 = arith.constant 0 : i32
    %dma_wait3A_327 = arith.constant 0 : i32
    %dma_wait3A_328 = tpu.memref_slice %arg3[%dma_wait3A_326, %dma_wait3A_327] : memref<100000x1024xf32, #tpu.memory_space<hbm>> -> memref<100000x1024xf32, #tpu.memory_space<hbm>>
    tpu.wait_indirect_dma semaphore(%arg8 : memref<!tpu.dma_semaphore, #tpu.memory_space<semaphore_mem>>) src(%dma_wait3A_328 : memref<100000x1024xf32, #tpu.memory_space<hbm>>) dst(%dma_wait3A_322 : memref<16x1024xf32, #tpu.memory_space<vmem>>)
    %add3A_329 = arith.constant 496 : i32
    %add3A_330 = arith.addi %mul3A_2, %add3A_329 : i32
    %dma_start3A_331 = arith.constant 1 : i32
    %dma_start3A_332 = arith.constant 0 : i32
    %dma_start3A_333 = arith.constant 0 : i32
    %dma_start3A_334 = tpu.memref_slice %arg6[%dma_start3A_331, %dma_start3A_332, %dma_start3A_333] : memref<6x16x1024xf32, #tpu.memory_space<vmem>> -> memref<1x16x1024xf32, #tpu.memory_space<vmem>>
    %dma_start3A_335 = tpu.memref_squeeze %dma_start3A_334 : memref<1x16x1024xf32, #tpu.memory_space<vmem>> -> memref<16x1024xf32, #tpu.memory_space<vmem>>
    %dma_start3A_336 = arith.constant 0 : i32
    %dma_start3A_337 = tpu.memref_slice %arg4[%add3A_330, %dma_start3A_336] : memref<16384x1024xf32, #tpu.memory_space<hbm>> -> memref<16x1024xf32, #tpu.memory_space<hbm>>
    %dma_start3A_338 = arith.constant 0 : i32
    %dma_start3A_339 = tpu.memref_slice %arg4[%add3A_330, %dma_start3A_338] : memref<16384x1024xf32, #tpu.memory_space<hbm>> -> memref<16x1024xf32, #tpu.memory_space<hbm>>
    %dma_start3A_340 = arith.constant 0 : i32
    %dma_start3A_341 = arith.constant 0 : i32
    %dma_start3A_342 = tpu.memref_slice %arg6[%dma_start3A_331, %dma_start3A_340, %dma_start3A_341] : memref<6x16x1024xf32, #tpu.memory_space<vmem>> -> memref<1x16x1024xf32, #tpu.memory_space<vmem>>
    %dma_start3A_343 = tpu.memref_squeeze %dma_start3A_342 : memref<1x16x1024xf32, #tpu.memory_space<vmem>> -> memref<16x1024xf32, #tpu.memory_space<vmem>>
    tpu.enqueue_dma source(%dma_start3A_343 : memref<16x1024xf32, #tpu.memory_space<vmem>>) target(%dma_start3A_339 : memref<16x1024xf32, #tpu.memory_space<hbm>>) target_semaphore(%arg14 : memref<!tpu.dma_semaphore, #tpu.memory_space<semaphore_mem>>)
    %dma_wait3A_344 = arith.constant 0 : i32
    %dma_wait3A_345 = arith.constant 0 : i32
    %dma_wait3A_346 = arith.constant 0 : i32
    %dma_wait3A_347 = tpu.memref_slice %arg6[%dma_wait3A_344, %dma_wait3A_345, %dma_wait3A_346] : memref<6x16x1024xf32, #tpu.memory_space<vmem>> -> memref<1x16x1024xf32, #tpu.memory_space<vmem>>
    %dma_wait3A_348 = tpu.memref_squeeze %dma_wait3A_347 : memref<1x16x1024xf32, #tpu.memory_space<vmem>> -> memref<16x1024xf32, #tpu.memory_space<vmem>>
    %dma_wait3A_349 = arith.constant 0 : i32
    %dma_wait3A_350 = tpu.memref_slice %arg4[%mul3A_2, %dma_wait3A_349] : memref<16384x1024xf32, #tpu.memory_space<hbm>> -> memref<16x1024xf32, #tpu.memory_space<hbm>>
    %dma_wait3A_351 = arith.constant 0 : i32
    %dma_wait3A_352 = tpu.memref_slice %arg4[%mul3A_2, %dma_wait3A_351] : memref<16384x1024xf32, #tpu.memory_space<hbm>> -> memref<16x1024xf32, #tpu.memory_space<hbm>>
    %dma_wait3A_353 = arith.constant 0 : i32
    %dma_wait3A_354 = arith.constant 0 : i32
    %dma_wait3A_355 = tpu.memref_slice %arg6[%dma_wait3A_344, %dma_wait3A_353, %dma_wait3A_354] : memref<6x16x1024xf32, #tpu.memory_space<vmem>> -> memref<1x16x1024xf32, #tpu.memory_space<vmem>>
    %dma_wait3A_356 = tpu.memref_squeeze %dma_wait3A_355 : memref<1x16x1024xf32, #tpu.memory_space<vmem>> -> memref<16x1024xf32, #tpu.memory_space<vmem>>
    tpu.wait_dma2 semaphore(%arg13 : memref<!tpu.dma_semaphore, #tpu.memory_space<semaphore_mem>>) src(%dma_wait3A_356 : memref<16x1024xf32, #tpu.memory_space<vmem>>) dst(%dma_wait3A_352 : memref<16x1024xf32, #tpu.memory_space<hbm>>)
    %dma_wait3A_357 = arith.constant 1 : i32
    %dma_wait3A_358 = arith.constant 0 : i32
    %dma_wait3A_359 = arith.constant 0 : i32
    %dma_wait3A_360 = tpu.memref_slice %arg6[%dma_wait3A_357, %dma_wait3A_358, %dma_wait3A_359] : memref<6x16x1024xf32, #tpu.memory_space<vmem>> -> memref<1x16x1024xf32, #tpu.memory_space<vmem>>
    %dma_wait3A_361 = tpu.memref_squeeze %dma_wait3A_360 : memref<1x16x1024xf32, #tpu.memory_space<vmem>> -> memref<16x1024xf32, #tpu.memory_space<vmem>>
    %dma_wait3A_362 = arith.constant 0 : i32
    %dma_wait3A_363 = tpu.memref_slice %arg4[%mul3A_2, %dma_wait3A_362] : memref<16384x1024xf32, #tpu.memory_space<hbm>> -> memref<16x1024xf32, #tpu.memory_space<hbm>>
    %dma_wait3A_364 = arith.constant 0 : i32
    %dma_wait3A_365 = tpu.memref_slice %arg4[%mul3A_2, %dma_wait3A_364] : memref<16384x1024xf32, #tpu.memory_space<hbm>> -> memref<16x1024xf32, #tpu.memory_space<hbm>>
    %dma_wait3A_366 = arith.constant 0 : i32
    %dma_wait3A_367 = arith.constant 0 : i32
    %dma_wait3A_368 = tpu.memref_slice %arg6[%dma_wait3A_357, %dma_wait3A_366, %dma_wait3A_367] : memref<6x16x1024xf32, #tpu.memory_space<vmem>> -> memref<1x16x1024xf32, #tpu.memory_space<vmem>>
    %dma_wait3A_369 = tpu.memref_squeeze %dma_wait3A_368 : memref<1x16x1024xf32, #tpu.memory_space<vmem>> -> memref<16x1024xf32, #tpu.memory_space<vmem>>
    tpu.wait_dma2 semaphore(%arg14 : memref<!tpu.dma_semaphore, #tpu.memory_space<semaphore_mem>>) src(%dma_wait3A_369 : memref<16x1024xf32, #tpu.memory_space<vmem>>) dst(%dma_wait3A_365 : memref<16x1024xf32, #tpu.memory_space<hbm>>)
    %dma_wait3A_370 = arith.constant 2 : i32
    %dma_wait3A_371 = arith.constant 0 : i32
    %dma_wait3A_372 = arith.constant 0 : i32
    %dma_wait3A_373 = tpu.memref_slice %arg6[%dma_wait3A_370, %dma_wait3A_371, %dma_wait3A_372] : memref<6x16x1024xf32, #tpu.memory_space<vmem>> -> memref<1x16x1024xf32, #tpu.memory_space<vmem>>
    %dma_wait3A_374 = tpu.memref_squeeze %dma_wait3A_373 : memref<1x16x1024xf32, #tpu.memory_space<vmem>> -> memref<16x1024xf32, #tpu.memory_space<vmem>>
    %dma_wait3A_375 = arith.constant 0 : i32
    %dma_wait3A_376 = tpu.memref_slice %arg4[%mul3A_2, %dma_wait3A_375] : memref<16384x1024xf32, #tpu.memory_space<hbm>> -> memref<16x1024xf32, #tpu.memory_space<hbm>>
    %dma_wait3A_377 = arith.constant 0 : i32
    %dma_wait3A_378 = tpu.memref_slice %arg4[%mul3A_2, %dma_wait3A_377] : memref<16384x1024xf32, #tpu.memory_space<hbm>> -> memref<16x1024xf32, #tpu.memory_space<hbm>>
    %dma_wait3A_379 = arith.constant 0 : i32
    %dma_wait3A_380 = arith.constant 0 : i32
    %dma_wait3A_381 = tpu.memref_slice %arg6[%dma_wait3A_370, %dma_wait3A_379, %dma_wait3A_380] : memref<6x16x1024xf32, #tpu.memory_space<vmem>> -> memref<1x16x1024xf32, #tpu.memory_space<vmem>>
    %dma_wait3A_382 = tpu.memref_squeeze %dma_wait3A_381 : memref<1x16x1024xf32, #tpu.memory_space<vmem>> -> memref<16x1024xf32, #tpu.memory_space<vmem>>
    tpu.wait_dma2 semaphore(%arg15 : memref<!tpu.dma_semaphore, #tpu.memory_space<semaphore_mem>>) src(%dma_wait3A_382 : memref<16x1024xf32, #tpu.memory_space<vmem>>) dst(%dma_wait3A_378 : memref<16x1024xf32, #tpu.memory_space<hbm>>)
    %dma_wait3A_383 = arith.constant 3 : i32
    %dma_wait3A_384 = arith.constant 0 : i32
    %dma_wait3A_385 = arith.constant 0 : i32
    %dma_wait3A_386 = tpu.memref_slice %arg6[%dma_wait3A_383, %dma_wait3A_384, %dma_wait3A_385] : memref<6x16x1024xf32, #tpu.memory_space<vmem>> -> memref<1x16x1024xf32, #tpu.memory_space<vmem>>
    %dma_wait3A_387 = tpu.memref_squeeze %dma_wait3A_386 : memref<1x16x1024xf32, #tpu.memory_space<vmem>> -> memref<16x1024xf32, #tpu.memory_space<vmem>>
    %dma_wait3A_388 = arith.constant 0 : i32
    %dma_wait3A_389 = tpu.memref_slice %arg4[%mul3A_2, %dma_wait3A_388] : memref<16384x1024xf32, #tpu.memory_space<hbm>> -> memref<16x1024xf32, #tpu.memory_space<hbm>>
    %dma_wait3A_390 = arith.constant 0 : i32
    %dma_wait3A_391 = tpu.memref_slice %arg4[%mul3A_2, %dma_wait3A_390] : memref<16384x1024xf32, #tpu.memory_space<hbm>> -> memref<16x1024xf32, #tpu.memory_space<hbm>>
    %dma_wait3A_392 = arith.constant 0 : i32
    %dma_wait3A_393 = arith.constant 0 : i32
    %dma_wait3A_394 = tpu.memref_slice %arg6[%dma_wait3A_383, %dma_wait3A_392, %dma_wait3A_393] : memref<6x16x1024xf32, #tpu.memory_space<vmem>> -> memref<1x16x1024xf32, #tpu.memory_space<vmem>>
    %dma_wait3A_395 = tpu.memref_squeeze %dma_wait3A_394 : memref<1x16x1024xf32, #tpu.memory_space<vmem>> -> memref<16x1024xf32, #tpu.memory_space<vmem>>
    tpu.wait_dma2 semaphore(%arg16 : memref<!tpu.dma_semaphore, #tpu.memory_space<semaphore_mem>>) src(%dma_wait3A_395 : memref<16x1024xf32, #tpu.memory_space<vmem>>) dst(%dma_wait3A_391 : memref<16x1024xf32, #tpu.memory_space<hbm>>)
    %dma_wait3A_396 = arith.constant 4 : i32
    %dma_wait3A_397 = arith.constant 0 : i32
    %dma_wait3A_398 = arith.constant 0 : i32
    %dma_wait3A_399 = tpu.memref_slice %arg6[%dma_wait3A_396, %dma_wait3A_397, %dma_wait3A_398] : memref<6x16x1024xf32, #tpu.memory_space<vmem>> -> memref<1x16x1024xf32, #tpu.memory_space<vmem>>
    %dma_wait3A_400 = tpu.memref_squeeze %dma_wait3A_399 : memref<1x16x1024xf32, #tpu.memory_space<vmem>> -> memref<16x1024xf32, #tpu.memory_space<vmem>>
    %dma_wait3A_401 = arith.constant 0 : i32
    %dma_wait3A_402 = tpu.memref_slice %arg4[%mul3A_2, %dma_wait3A_401] : memref<16384x1024xf32, #tpu.memory_space<hbm>> -> memref<16x1024xf32, #tpu.memory_space<hbm>>
    %dma_wait3A_403 = arith.constant 0 : i32
    %dma_wait3A_404 = tpu.memref_slice %arg4[%mul3A_2, %dma_wait3A_403] : memref<16384x1024xf32, #tpu.memory_space<hbm>> -> memref<16x1024xf32, #tpu.memory_space<hbm>>
    %dma_wait3A_405 = arith.constant 0 : i32
    %dma_wait3A_406 = arith.constant 0 : i32
    %dma_wait3A_407 = tpu.memref_slice %arg6[%dma_wait3A_396, %dma_wait3A_405, %dma_wait3A_406] : memref<6x16x1024xf32, #tpu.memory_space<vmem>> -> memref<1x16x1024xf32, #tpu.memory_space<vmem>>
    %dma_wait3A_408 = tpu.memref_squeeze %dma_wait3A_407 : memref<1x16x1024xf32, #tpu.memory_space<vmem>> -> memref<16x1024xf32, #tpu.memory_space<vmem>>
    tpu.wait_dma2 semaphore(%arg17 : memref<!tpu.dma_semaphore, #tpu.memory_space<semaphore_mem>>) src(%dma_wait3A_408 : memref<16x1024xf32, #tpu.memory_space<vmem>>) dst(%dma_wait3A_404 : memref<16x1024xf32, #tpu.memory_space<hbm>>)
    %dma_wait3A_409 = arith.constant 5 : i32
    %dma_wait3A_410 = arith.constant 0 : i32
    %dma_wait3A_411 = arith.constant 0 : i32
    %dma_wait3A_412 = tpu.memref_slice %arg6[%dma_wait3A_409, %dma_wait3A_410, %dma_wait3A_411] : memref<6x16x1024xf32, #tpu.memory_space<vmem>> -> memref<1x16x1024xf32, #tpu.memory_space<vmem>>
    %dma_wait3A_413 = tpu.memref_squeeze %dma_wait3A_412 : memref<1x16x1024xf32, #tpu.memory_space<vmem>> -> memref<16x1024xf32, #tpu.memory_space<vmem>>
    %dma_wait3A_414 = arith.constant 0 : i32
    %dma_wait3A_415 = tpu.memref_slice %arg4[%mul3A_2, %dma_wait3A_414] : memref<16384x1024xf32, #tpu.memory_space<hbm>> -> memref<16x1024xf32, #tpu.memory_space<hbm>>
    %dma_wait3A_416 = arith.constant 0 : i32
    %dma_wait3A_417 = tpu.memref_slice %arg4[%mul3A_2, %dma_wait3A_416] : memref<16384x1024xf32, #tpu.memory_space<hbm>> -> memref<16x1024xf32, #tpu.memory_space<hbm>>
    %dma_wait3A_418 = arith.constant 0 : i32
    %dma_wait3A_419 = arith.constant 0 : i32
    %dma_wait3A_420 = tpu.memref_slice %arg6[%dma_wait3A_409, %dma_wait3A_418, %dma_wait3A_419] : memref<6x16x1024xf32, #tpu.memory_space<vmem>> -> memref<1x16x1024xf32, #tpu.memory_space<vmem>>
    %dma_wait3A_421 = tpu.memref_squeeze %dma_wait3A_420 : memref<1x16x1024xf32, #tpu.memory_space<vmem>> -> memref<16x1024xf32, #tpu.memory_space<vmem>>
    tpu.wait_dma2 semaphore(%arg18 : memref<!tpu.dma_semaphore, #tpu.memory_space<semaphore_mem>>) src(%dma_wait3A_421 : memref<16x1024xf32, #tpu.memory_space<vmem>>) dst(%dma_wait3A_417 : memref<16x1024xf32, #tpu.memory_space<hbm>>)
    return
  }
}

</mosaic_0001>

<sc_bundles>
// kernel: kernel.3.cloned.1.call-start
scs
__scs_entry_jumppad:
0x0: {  	(pc) =	sbr.rel $0x88, $3  }
0x1: {  	(tag) =	ssettag $0x0;
	lr =	simm.s32 $0x1  }
0x2: {  	[smem:$0x3F9F] =	sst lr;
	_ =	strace $0xD0000000  }
0x3: {  	_ = 	snop  }
0x4: {  	_ = 	snop  }
0x5: {  	_ = 	snop  }
0x6: {  	_ = 	snop  }
0x7: {  	_ = 	snop  }
__scs_overlays_trampoline_lowered:
0x8: {  	[smem:$0x3FAE] =	sst s0  }
0x9: {  	[smem:$0x3FAF] =	sst s1  }
0xa: {  	[smem:$0x3FB0] =	sst s2  }
0xb: {  	[smem:$0x3FB1] =	sst s3  }
0xc: {  	[smem:$0x3FB2] =	sst s4  }
0xd: {  	[smem:$0x3FB3] =	sst s5  }
0xe: {  	[smem:$0x3FB4] =	sst s6  }
0xf: {  	[smem:$0x3FB5] =	sst s7  }
0x10: {  	[smem:$0x3FB6] =	sst s8  }
0x11: {  	[smem:$0x3FB7] =	sst s9;
	s0 =	simm.s32 @!p0 $0x0  }
0x12: {  	s1 =	sld [smem:$0x3F9D];
	s0 =	simm.s32 @p0 $0x1  }
0x13: {  	[smem:$0x3FB8] =	sst s0;
	s0 =	simm.s32 @!p1 $0x0  }
0x14: {  	s2 =	sld [smem:$0x3F9C];
	s0 =	simm.s32 @p1 $0x1  }
0x15: {  	[smem:$0x3FB9] =	sst s0;
	s0 =	simm.s32 @!p2 $0x0  }
0x16: {  	s3 =	sld [smem:$0x3FDB];
	s0 =	simm.s32 @p2 $0x1  }
0x17: {  	s4 =	simm.s32 $0x1BF5;
	[smem:$0x3FBB] =	sst s0  }
0x18: {  	s0 =	sld [smem:$0x3F9E];
	_ =	swait.ge [sflag:s4], $0x0  }
0x19: {  	s7 =	sld [smem:$0x3F9F]  }
0x1a: {  	s8 =	sadd.s32 $0xFFFFE003, lr  }
0x1b: {  	s9 =	sadd.s32 $0xFFFFFEF7, lr;
	s5 =	simm.s32 $0xFFFFFFFF;
	p2 =	slt.u32 s8, $0xFFFFF086  }
0x1c: {  	p1 =	slt.u32 s9, $0xF7A;
	s5 =	simm.s32 @!p2 $0x0  }
0x1d: {  	s5 =	simm.s32 @p1 $0x1;
	p0 =	seq.s32 s7, s2  }
0x1e: {  	s7 =	smul.u32 @!p0 $0xF7A, s2;
	p2 =	seq.s32 @!p0 s5, $0x0  }
0x1f: {  	s9 =	smul.u32 $0xF7A, s1;
	s8 =	simm.s32 @!p0 $0x1BF5;
	p2 =	por !p2, p0  }
0x20: {  	[sflag:s8] =	ssyncset.s32 @!p0 $0xFFFFF086;
	s6 =	sadd.s32 @!p0 s3, s7;
	s7 =	simm.s32 @!p0 $0x108  }
0x21: {  	s3 =	sadd.s32 s3, s9;
	s6 =	sadd.s32 @!p0 $0x88, s6;
	s7 =	simm.s32 @p2 $0x1082  }
0x22: {  	[simem:s7], [sflag:s8] =	dma.local @!p0 [hbm:s6], $0xF7A  }
0x23: {  	s9 =	sor.u32 $0xD0000000, s2;
	s6 =	simm.s32 $0x108;
	_ =	swait.ge @!p0 [sflag:s8], $0x0  }
0x24: {  	s3 =	sadd.s32 $0x88, s3;
	s6 =	simm.s32 @!p1 $0x1082;
	[sflag:s4] =	ssyncset.s32 $0xFFFFF086  }
0x25: {  	[simem:s6], [sflag:s4] =	dma.local [hbm:s3], $0xF7A  }
0x26: {  	[smem:$0x3F9F] =	sst s1;
	(tag) =	ssettag s2;
	_ =	strace s9  }
0x27: {  	s1 =	sld [smem:$0x3FAF]  }
0x28: {  	s2 =	sld [smem:$0x3FB0]  }
0x29: {  	s4 =	sld [smem:$0x3FB2]  }
0x2a: {  	p0 =	seq.s32 s5, $0x0;
	s5 =	sld [smem:$0x3FB3]  }
0x2b: {  	s6 =	sld [smem:$0x3FB4]  }
0x2c: {  	s7 =	sld [smem:$0x3FB5]  }
0x2d: {  	s3 =	simm.s32 $0x108;
	s8 =	sld [smem:$0x3FB6]  }
0x2e: {  	s3 =	simm.s32 @!p0 $0x1082;
	s9 =	sld [smem:$0x3FB7]  }
0x2f: {  	lr =	sadd.s32 s0, s3;
	s0 =	sld [smem:$0x3FAE]  }
0x30: {  	s3 =	sld [smem:$0x3FB1]  }
0x31: {  	[smem:$0x3FBA] =	sst s10  }
0x32: {  	s10 =	sld [smem:$0x3FB8];
	_ =	sdelay $0x3  }
0x33: {  	p0 =	seq.s32 s10, $0x1;
	s10 =	sld [smem:$0x3FBA];
	_ =	sdelay $0x3  }
0x34: {  	[smem:$0x3FBA] =	sst s10  }
0x35: {  	s10 =	sld [smem:$0x3FB9];
	_ =	sdelay $0x3  }
0x36: {  	p1 =	seq.s32 s10, $0x1;
	s10 =	sld [smem:$0x3FBA];
	_ =	sdelay $0x3  }
0x37: {  	[smem:$0x3FBA] =	sst s10  }
0x38: {  	s10 =	sld [smem:$0x3FBB]  }
0x39: {  	_ = 	snop;
	(pc) =	sbr.ind lr, $3  }
0x3a: {  	_ = 	snop  }
0x3b: {  	_ = 	snop  }
0x3c: {  	p2 =	seq.s32 s10, $0x1;
	s10 =	sld [smem:$0x3FBA]  }
0x3d: {  	_ =	shalt  }
0x3e: {  	_ =	shalt  }
0x3f: {  	_ =	shalt  }
0x40: {  	_ =	shalt  }
0x41: {  	_ =	shalt  }
0x42: {  	_ =	shalt  }
0x43: {  	_ =	shalt  }
0x44: {  	_ =	shalt  }
0x45: {  	_ =	shalt  }
0x46: {  	_ =	shalt  }
0x47: {  	_ =	shalt  }
0x48: {  	_ =	shalt  }
0x49: {  	_ =	shalt  }
0x4a: {  	_ =	shalt  }
0x4b: {  	_ =	shalt  }
0x4c: {  	_ =	shalt  }
0x4d: {  	_ =	shalt  }
0x4e: {  	_ =	shalt  }
0x4f: {  	_ =	shalt  }
0x50: {  	_ =	shalt  }
0x51: {  	_ =	shalt  }
0x52: {  	_ =	shalt  }
0x53: {  	_ =	shalt  }
0x54: {  	_ =	shalt  }
0x55: {  	_ =	shalt  }
0x56: {  	_ =	shalt  }
0x57: {  	_ =	shalt  }
0x58: {  	_ =	shalt  }
0x59: {  	_ =	shalt  }
0x5a: {  	_ =	shalt  }
0x5b: {  	_ =	shalt  }
0x5c: {  	_ =	shalt  }
0x5d: {  	_ =	shalt  }
0x5e: {  	_ =	shalt  }
0x5f: {  	_ =	shalt  }
0x60: {  	_ =	shalt  }
0x61: {  	_ =	shalt  }
0x62: {  	_ =	shalt  }
0x63: {  	_ =	shalt  }
0x64: {  	_ =	shalt  }
0x65: {  	_ =	shalt  }
0x66: {  	_ =	shalt  }
0x67: {  	_ =	shalt  }
0x68: {  	_ =	shalt  }
0x69: {  	_ =	shalt  }
0x6a: {  	_ =	shalt  }
0x6b: {  	_ =	shalt  }
0x6c: {  	_ =	shalt  }
0x6d: {  	_ =	shalt  }
0x6e: {  	_ =	shalt  }
0x6f: {  	_ =	shalt  }
0x70: {  	_ =	shalt  }
0x71: {  	_ =	shalt  }
0x72: {  	_ =	shalt  }
0x73: {  	_ =	shalt  }
0x74: {  	_ =	shalt  }
0x75: {  	_ =	shalt  }
0x76: {  	_ =	shalt  }
0x77: {  	_ =	shalt  }
0x78: {  	_ =	shalt  }
0x79: {  	_ =	shalt  }
0x7a: {  	_ =	shalt  }
0x7b: {  	_ =	shalt  }
0x7c: {  	_ =	shalt  }
0x7d: {  	_ =	shalt  }
0x7e: {  	_ =	shalt  }
0x7f: {  	_ =	shalt  }
0x80: {  	_ =	shalt  }
0x81: {  	_ =	shalt  }
0x82: {  	_ =	shalt  }
0x83: {  	_ =	shalt  }
0x84: {  	_ =	shalt  }
0x85: {  	_ =	shalt  }
0x86: {  	_ =	shalt  }
0x87: {  	_ =	shalt  }
.Lfunc_end0:
.L_simem_size_0:
called_computation_lowered:
.L_overlay_start_0:
0x88: {  	s2 =	sld [smem:$0x3FD9]  }
0x89: {  	s3 =	sld [smem:$0x3FFE];
	_ =	sdelay $0x1  }
0x8a: {  	s1 =	srdreg.scid  }
0x8b: {  	s0 =	sand.u32 $0x1, s1  }
0x8c: {  	s17 =	sshll.u32 s0, $0xA;
	s2 =	sadd.s32 s3, s2  }
0x8d: {  	s2 =	sadd.s32 s2, s17  }
0x8e: {  	[smem:$0x3FC6] =	sst s2  }
0x8f: {  	_ = 	snop  }
0x90: {  	s2 =	sld [smem:$0x3FC8]  }
0x91: {  	s18 =	sld [smem:$0x3FD0];
	(tm) =	ssettm $0x1  }
0x92: {  	s4 =	sld [smem:$0x3FFB];
	_ =	sdelay $0x3  }
0x93: {  	_ =	strace s4  }
0x94: {  	s4 =	sld [smem:$0x3FFC];
	_ =	sdelay $0x3  }
0x95: {  	_ =	strace s4  }
0x96: {  	s4 =	sld [smem:$0x3FFD];
	_ =	sdelay $0x3  }
0x97: {  	_ =	strace s4  }
0x98: {  	_ =	strace $0x8FFFFFFF  }
0x99: {  	s19 =	sld [smem:$0x3FDB];
	_ =	sdelay $0x1  }
0x9a: {  	s5 =	simm.s32 $_scs_section_size  }
0x9b: {  	s6 =	simm.s32 $_size__tile_overlayer_lowered;
	s7 =	simm.s32 $_tile_overlayer_lowered  }
0x9c: {  	s22 =	simm.s32 $0x1BFF;
	s21 =	sshll.u32 s7, $0x1;
	s4 =	sadd.s32 s5, s19  }
0x9d: {  	s8 =	simm.s32 $0x0;
	s20 =	sshll.u32 s6, $0x1;
	s6 =	sadd.s32 s21, s4  }
0x9e: {  	[timem:s8], [sflag:s22] =	dma.local [hbm:s6], s20  }
0x9f: {  	_ =	swait.ge [sflag:s22], s20  }
0xa0: {  	s5 =	ssub.s32 $0x0, s20;
	[sflag:s22] =	ssyncset.done $0x0  }
0xa1: {  	[sflag:s22] =	ssyncadd.s32 s5;
	_ =	sdelay $0x1  }
0xa2: {  	s23 =	simm.s32 $0x1B8B  }
0xa3: {  	_ =	swait.ge [sflag:s23], $0x1  }
0xa4: {  	[sflag:s23] =	ssyncset.done $0x0  }
0xa5: {  	s25 =	simm.s32 $0x1B8E;
	s24 =	sld [smem:$0x3FFE];
	[sflag:s23] =	ssyncadd.s32 $0xFFFFFFFF  }
0xa6: {  	s26 =	simm.s32 $execute0_lowered;
	[smem:$0x3FD2] =	sst s25  }
0xa7: {  	s6 =	sshll.u32 s26, $0x1;
	_ =	strace $0x80000046;
	[dreg:$0x1] =	wrdreg $0xFFFFFFFF  }
0xa8: {  	s28 =	simm.s32 $_size_execute0_lowered;
	s4 =	sadd.s32 s4, s6;
	[dreg:$0x0] =	wrdreg $0x0  }
0xa9: {  	s6 =	sshll.u32 s28, $0x1;
	[dreg:$0x2] =	wrdreg s4  }
0xaa: {  	[dreg:$0x3] =	wrdreg s6  }
0xab: {  	[dreg:$0x4] =	wrdreg $0xC0  }
0xac: {  	_ =	task [dreg:s8], $0x5FFFF  }
0xad: {  	[dreg:$0x1] =	wrdreg $0xFFFFFFFF  }
0xae: {  	[dreg:$0x0] =	wrdreg $0x60  }
0xaf: {  	[dreg:$0x2] =	wrdreg s24  }
0xb0: {  	[dreg:$0x3] =	wrdreg s2  }
0xb1: {  	[dreg:$0x4] =	wrdreg s18  }
0xb2: {  	[dreg:$0x5] =	wrdreg $0x9  }
0xb3: {  	_ =	task.clear_ibuf [dreg:s8], $0x6FFFF;
	_ =	strace $0x90000046  }
0xb4: {  	s29 =	simm.s32 $0x9;
	_ =	strace $0x80000048  }
0xb5: {  	_ =	swait.ge [sflag:s29], $0x1  }
0xb6: {  	[sflag:s29] =	ssyncadd.s32 $0xFFFFFFFF  }
0xb7: {  	_ =	strace $0x90000048  }
0xb8: {  	_ =	sfence  }
0xb9: {  	s30 =	sld [smem:$0x0];
	_ =	sdelay $0x2  }
0xba: {  	s31 =	sshll.u32 s1, $0xD;
	s1 =	sshrl.u32 s1, $0x2  }
0xbb: {  	s3 =	sand.u32 $0x4000, s31;
	s1 =	sadd.s32 s1, s30  }
0xbc: {  	s0 =	sor.u32 s3, s0;
	s1 =	sshll.u32 s1, $0x11  }
0xbd: {  	s0 =	sor.u32 s1, s0  }
0xbe: {  	s0 =	sadd.s32 $0x8F2B, s0  }
0xbf: {  	[sflag:s0] =	ssyncadd.remote.s32 $0x1  }
0xc0: {  	_ =	sfence.sel $0xFFFF  }
0xc1: {  	[dreg:$0x0] =	wrdreg $0xFFFFFFFF;
	(pc) =	sbr.abs _section_cstart, $3  }
0xc2: {  	[dreg:$0x1] =	wrdreg $0xFFFFFFFF  }
0xc3: {  	_ =	task.clear_ibuf [dreg:s8], $0x2FFFF;
	_ =	strace $0x9FFFFFFF  }
0xc4: {  	(tm) =	ssettm $0x7FFFFFFF  }
0xc5: {  	_ =	shalt  }
tec
execute0_lowered:
.L_overlay_start_1:
0x0: {  	(tag) =	ssettag $0x1  }
0x1: {  	s0 =	rddreg [dreg:$0x0]  }
0x2: {  	s2 =	rddreg [dreg:$0x1]  }
0x3: {  	s1 =	rddreg [dreg:$0x2]  }
0x4: {  	s3 =	srdreg.scid;
	s9 =	stileid.u32;
	s29 =	simm.s32 $0xA000  }
0x5: {  	s28 =	simm.s32 $0xC800;
	s30 =	simm.s32 $0xD800;
	s31 =	simm.s32 $0xE000  }
0x6: {  	s11 =	simm.s32 $0x4;
	s12 =	simm.s32 $0x9;
	s13 =	simm.s32 $0xA  }
0x7: {  	s14 =	simm.s32 $0xB;
	s15 =	simm.s32 $0xC;
	s4 =	sand.u32 $0x1, s3  }
0x8: {  	s5 =	sshll.u32 s9, $0x1;
	s3 =	simm.s32 $0x0;
	s22 =	sshll.u32 s9, $0x11  }
0x9: {  	s9 =	simm.s32 $0x15000;
	s6 =	sor.u32 s4, s5;
	s16 =	ssub.s32 $0x2, s4  }
0xa: {  	[smem:$0x7FF] =	sst s3;
	s5 =	sadd.s32 $0x100, s2;
	s17 =	sshll.u32 s6, $0x10  }
0xb: {  	s7 =	sshll.u32 s6, $0x9;
	_ =	strace $0x80000047;
	s10 =	sadd.s32 s1, s17  }
0xc: {  	s0 =	sadd.s32 s7, s0;
	s17 =	simm.s32 $0x0;
	[dreg:$0x6] =	wrdreg s10  }
0xd: {  	s24 =	sshll.u32 s4, $0x10;
	s0 =	sadd.s32 $0x400, s0;
	[dreg:$0xf] =	wrdreg s17  }
0xe: {  	s4 =	simm.s32 $0x2;
	s18 =	sadd.s32 $0xD000, s10;
	[dreg:$0x5] =	wrdreg s0  }
0xf: {  	s8 =	sshrl.u32 s16, $0x1;
	s19 =	sadd.s32 $0xD800, s10;
	[dreg:$0x8] =	wrdreg s18  }
0x10: {  	s6 =	sadd.s32 $0x200, s2;
	s20 =	sadd.s32 $0xE000, s10;
	[dreg:$0x9] =	wrdreg s19  }
0x11: {  	s8 =	ssub.s32 s16, s8;
	s21 =	sadd.s32 $0xE800, s10;
	[dreg:$0xa] =	wrdreg s20  }
0x12: {  	s7 =	sadd.s32 $0x300, s2;
	s23 =	sadd.s32 $0xF000, s10;
	[dreg:$0xb] =	wrdreg s21  }
0x13: {  	s16 =	simm.s32 $0x1;
	s25 =	sadd.s32 $0xF800, s10;
	[dreg:$0xc] =	wrdreg s23  }
0x14: {  	s26 =	smax.u32 s8, $0x1;
	s8 =	simm.s32 $0xD000;
	[dreg:$0xd] =	wrdreg s25  }
0x15: {  	s0 =	sadd.s32 $0x800, s10;
	[dreg:$0xe] =	wrdreg s26;
	s26 =	simm.s32 $0x9000  }
0x16: {  	s20 =	simm.s32 $0xB000;
	s18 =	simm.s32 $0xB800;
	s23 =	simm.s32 $0xC000  }
0x17: {  	s19 =	simm.s32 $0x11000;
	s21 =	simm.s32 $0x7;
	s10 =	simm.s32 $0x3  }
0x18: {  	v2 =	vlaneseq.u32;
	s25 =	simm.s32 $0x6;
	[dreg:$0x7] =	wrdreg s0;
	s0 =	sadd.s32 s22, s1  }
0x19: {  	vm0 =	vmmov $0xffff;
	v1 =	vshrl.u32 v2, $0x3;
	s1 =	simm.s32 $0xA800;
	s22 =	simm.s32 $0x8;
	s0 =	sadd.s32 s24, s0  }
0x1a: {  	v0 =	vand.u32 $0x7, v2;
	v2 =	vor.u32 $0x8, v2;
	v1 =	vmul.u32 $0x8, v1;
	s24 =	simm.s32 $0x5;
	[dreg:$0x4] =	wrdreg s0;
	s0 =	simm.s32 $0x9800  }
.LBB2_1:
0x1b: {  	s17 =	rddreg [dreg:$0x5]  }
0x1c: {  	[tilespmem:s3], [sflag:$0xD] =	stream.linear.gather [hbm4b:s17+s3], $0x1000, $0x38;
	[tilespmem:$0x19000] =	vst v63  }
0x1d: {  	s17 =	simm.s32 $0xD  }
0x1e: {  	_ =	swait.ge [sflag:s17], $0x1000  }
0x1f: {  	[sflag:s17] =	ssyncset.done $0x0  }
0x20: {  	[sflag:s17] =	ssyncadd.s32 $0xFFFFF000  }
0x21: {  	v3 =	vld [tilespmem:$0x0];
	_ =	sdelay $0x4  }
0x22: {  	v4 =	vshll.u32 v3, $0x3  }
0x23: {  	v3 =	vand.u32 $0x7, v3;
	v4 =	vand.u32 $0xFFFFFFC0, v4  }
0x24: {  	v3 =	vor.u32 v3, v4  }
0x25: {  	v4 =	vperm.xlane v3, v0;
	_ =	sdelay $0x1  }
0x26: {  	v4 =	vadd.s32 v1, v4;
	_ =	sdelay $0x3  }
0x27: {  	s17 =	simm.s32 $0x1000  }
0x28: {  	[tilespmem:s17], [sflag:$0x1] =	stream.indirect_vreg.gather [hbm4b:s2+s3], $0x80, v4, vm0, $0xb8;
	[tilespmem:$0x19000] =	vst v63  }
0x29: {  	v3 =	vperm.xlane v3, v2;
	s17 =	simm.s32 $0x1800  }
0x2a: {  	[tilespmem:s17], [sflag:$0x1] =	stream.indirect_vreg.gather [hbm4b:s5+s3], $0x80, v4, vm0, $0xb8;
	[tilespmem:$0x19000] =	vst v63  }
0x2b: {  	v3 =	vadd.s32 v1, v3;
	s17 =	simm.s32 $0x2000  }
0x2c: {  	[tilespmem:s17], [sflag:$0x1] =	stream.indirect_vreg.gather [hbm4b:s6+s3], $0x80, v4, vm0, $0xb8;
	[tilespmem:$0x19000] =	vst v63  }
0x2d: {  	s17 =	simm.s32 $0x2800  }
0x2e: {  	[tilespmem:s17], [sflag:$0x1] =	stream.indirect_vreg.gather [hbm4b:s7+s3], $0x80, v4, vm0, $0xb8;
	[tilespmem:$0x19000] =	vst v63  }
0x2f: {  	s17 =	simm.s32 $0x3000  }
0x30: {  	[tilespmem:s17], [sflag:$0x1] =	stream.indirect_vreg.gather [hbm4b:s2+s3], $0x80, v3, vm0, $0xb8;
	[tilespmem:$0x19000] =	vst v63  }
0x31: {  	s17 =	simm.s32 $0x3800  }
0x32: {  	[tilespmem:s17], [sflag:$0x1] =	stream.indirect_vreg.gather [hbm4b:s5+s3], $0x80, v3, vm0, $0xb8;
	[tilespmem:$0x19000] =	vst v63  }
0x33: {  	s17 =	simm.s32 $0x4000  }
0x34: {  	[tilespmem:s17], [sflag:$0x1] =	stream.indirect_vreg.gather [hbm4b:s6+s3], $0x80, v3, vm0, $0xb8;
	[tilespmem:$0x19000] =	vst v63  }
0x35: {  	s17 =	simm.s32 $0x4800  }
0x36: {  	[tilespmem:s17], [sflag:$0x1] =	stream.indirect_vreg.gather [hbm4b:s7+s3], $0x80, v3, vm0, $0xb8;
	[tilespmem:$0x19000] =	vst v63  }
0x37: {  	v3 =	vld [tilespmem:$0x80];
	_ =	sdelay $0x4  }
0x38: {  	v59 =	vshll.u32 v3, $0x3  }
0x39: {  	v3 =	vand.u32 $0x7, v3;
	v4 =	vand.u32 $0xFFFFFFC0, v59  }
0x3a: {  	v3 =	vor.u32 v3, v4  }
0x3b: {  	v4 =	vperm.xlane v3, v0;
	_ =	sdelay $0x1  }
0x3c: {  	v4 =	vadd.s32 v1, v4;
	_ =	sdelay $0x3  }
0x3d: {  	s17 =	simm.s32 $0x5000  }
0x3e: {  	[tilespmem:s17], [sflag:$0x2] =	stream.indirect_vreg.gather [hbm4b:s2+s3], $0x80, v4, vm0, $0xb8;
	[tilespmem:$0x19000] =	vst v63  }
0x3f: {  	v3 =	vperm.xlane v3, v2;
	s17 =	simm.s32 $0x5800  }
0x40: {  	[tilespmem:s17], [sflag:$0x2] =	stream.indirect_vreg.gather [hbm4b:s5+s3], $0x80, v4, vm0, $0xb8;
	[tilespmem:$0x19000] =	vst v63  }
0x41: {  	v3 =	vadd.s32 v1, v3;
	s17 =	simm.s32 $0x6000  }
0x42: {  	[tilespmem:s17], [sflag:$0x2] =	stream.indirect_vreg.gather [hbm4b:s6+s3], $0x80, v4, vm0, $0xb8;
	[tilespmem:$0x19000] =	vst v63  }
0x43: {  	s17 =	simm.s32 $0x6800  }
0x44: {  	[tilespmem:s17], [sflag:$0x2] =	stream.indirect_vreg.gather [hbm4b:s7+s3], $0x80, v4, vm0, $0xb8;
	[tilespmem:$0x19000] =	vst v63  }
0x45: {  	s17 =	simm.s32 $0x7000  }
0x46: {  	[tilespmem:s17], [sflag:$0x2] =	stream.indirect_vreg.gather [hbm4b:s2+s3], $0x80, v3, vm0, $0xb8;
	[tilespmem:$0x19000] =	vst v63  }
0x47: {  	s17 =	simm.s32 $0x7800  }
0x48: {  	[tilespmem:s17], [sflag:$0x2] =	stream.indirect_vreg.gather [hbm4b:s5+s3], $0x80, v3, vm0, $0xb8;
	[tilespmem:$0x19000] =	vst v63  }
0x49: {  	s17 =	simm.s32 $0x8000  }
0x4a: {  	[tilespmem:s17], [sflag:$0x2] =	stream.indirect_vreg.gather [hbm4b:s6+s3], $0x80, v3, vm0, $0xb8;
	[tilespmem:$0x19000] =	vst v63  }
0x4b: {  	s17 =	simm.s32 $0x8800  }
0x4c: {  	[tilespmem:s17], [sflag:$0x2] =	stream.indirect_vreg.gather [hbm4b:s7+s3], $0x80, v3, vm0, $0xb8;
	[tilespmem:$0x19000] =	vst v63  }
0x4d: {  	v3 =	vld [tilespmem:$0x100];
	_ =	sdelay $0x4  }
0x4e: {  	v60 =	vshll.u32 v3, $0x3  }
0x4f: {  	v3 =	vand.u32 $0x7, v3;
	v4 =	vand.u32 $0xFFFFFFC0, v60  }
0x50: {  	v3 =	vor.u32 v3, v4  }
0x51: {  	v4 =	vperm.xlane v3, v0;
	_ =	sdelay $0x1  }
0x52: {  	v4 =	vadd.s32 v1, v4;
	_ =	sdelay $0x4  }
0x53: {  	[tilespmem:s26], [sflag:$0x3] =	stream.indirect_vreg.gather [hbm4b:s2+s3], $0x80, v4, vm0, $0xb8;
	[tilespmem:$0x19000] =	vst v63  }
0x54: {  	v3 =	vperm.xlane v3, v2  }
0x55: {  	[tilespmem:s0], [sflag:$0x3] =	stream.indirect_vreg.gather [hbm4b:s5+s3], $0x80, v4, vm0, $0xb8;
	[tilespmem:$0x19000] =	vst v63  }
0x56: {  	v3 =	vadd.s32 v1, v3  }
0x57: {  	[tilespmem:s29], [sflag:$0x3] =	stream.indirect_vreg.gather [hbm4b:s6+s3], $0x80, v4, vm0, $0xb8;
	[tilespmem:$0x19000] =	vst v63  }
0x58: {  	_ = 	snop  }
0x59: {  	[tilespmem:s1], [sflag:$0x3] =	stream.indirect_vreg.gather [hbm4b:s7+s3], $0x80, v4, vm0, $0xb8;
	[tilespmem:$0x19000] =	vst v63  }
0x5a: {  	_ = 	snop  }
0x5b: {  	[tilespmem:s20], [sflag:$0x3] =	stream.indirect_vreg.gather [hbm4b:s2+s3], $0x80, v3, vm0, $0xb8;
	[tilespmem:$0x19000] =	vst v63  }
0x5c: {  	_ = 	snop  }
0x5d: {  	[tilespmem:s18], [sflag:$0x3] =	stream.indirect_vreg.gather [hbm4b:s5+s3], $0x80, v3, vm0, $0xb8;
	[tilespmem:$0x19000] =	vst v63  }
0x5e: {  	_ = 	snop  }
0x5f: {  	[tilespmem:s23], [sflag:$0x3] =	stream.indirect_vreg.gather [hbm4b:s6+s3], $0x80, v3, vm0, $0xb8;
	[tilespmem:$0x19000] =	vst v63  }
0x60: {  	_ = 	snop  }
0x61: {  	[tilespmem:s28], [sflag:$0x3] =	stream.indirect_vreg.gather [hbm4b:s7+s3], $0x80, v3, vm0, $0xb8;
	[tilespmem:$0x19000] =	vst v63  }
0x62: {  	v3 =	vld [tilespmem:$0x180];
	_ =	sdelay $0x4  }
0x63: {  	v61 =	vshll.u32 v3, $0x3  }
0x64: {  	v3 =	vand.u32 $0x7, v3;
	v4 =	vand.u32 $0xFFFFFFC0, v61  }
0x65: {  	v3 =	vor.u32 v3, v4  }
0x66: {  	v4 =	vperm.xlane v3, v0;
	_ =	sdelay $0x1  }
0x67: {  	v4 =	vadd.s32 v1, v4;
	_ =	sdelay $0x4  }
0x68: {  	[tilespmem:s8], [sflag:$0x4] =	stream.indirect_vreg.gather [hbm4b:s2+s3], $0x80, v4, vm0, $0xb8;
	[tilespmem:$0x19000] =	vst v63  }
0x69: {  	v3 =	vperm.xlane v3, v2  }
0x6a: {  	[tilespmem:s30], [sflag:$0x4] =	stream.indirect_vreg.gather [hbm4b:s5+s3], $0x80, v4, vm0, $0xb8;
	[tilespmem:$0x19000] =	vst v63  }
0x6b: {  	v3 =	vadd.s32 v1, v3  }
0x6c: {  	[tilespmem:s31], [sflag:$0x4] =	stream.indirect_vreg.gather [hbm4b:s6+s3], $0x80, v4, vm0, $0xb8;
	[tilespmem:$0x19000] =	vst v63  }
0x6d: {  	s23 =	simm.s32 $0xE800  }
0x6e: {  	[tilespmem:s23], [sflag:$0x4] =	stream.indirect_vreg.gather [hbm4b:s7+s3], $0x80, v4, vm0, $0xb8;
	[tilespmem:$0x19000] =	vst v63  }
0x6f: {  	s26 =	simm.s32 $0xF000  }
0x70: {  	[tilespmem:s26], [sflag:$0x4] =	stream.indirect_vreg.gather [hbm4b:s2+s3], $0x80, v3, vm0, $0xb8;
	[tilespmem:$0x19000] =	vst v63  }
0x71: {  	s31 =	simm.s32 $0xF800  }
0x72: {  	[tilespmem:s31], [sflag:$0x4] =	stream.indirect_vreg.gather [hbm4b:s5+s3], $0x80, v3, vm0, $0xb8;
	[tilespmem:$0x19000] =	vst v63  }
0x73: {  	s1 =	simm.s32 $0x10000  }
0x74: {  	[tilespmem:s1], [sflag:$0x4] =	stream.indirect_vreg.gather [hbm4b:s6+s3], $0x80, v3, vm0, $0xb8;
	[tilespmem:$0x19000] =	vst v63  }
0x75: {  	s8 =	simm.s32 $0x10800  }
0x76: {  	[tilespmem:s8], [sflag:$0x4] =	stream.indirect_vreg.gather [hbm4b:s7+s3], $0x80, v3, vm0, $0xb8;
	[tilespmem:$0x19000] =	vst v63  }
0x77: {  	v3 =	vld [tilespmem:$0x200];
	_ =	sdelay $0x4  }
0x78: {  	v62 =	vshll.u32 v3, $0x3  }
0x79: {  	v3 =	vand.u32 $0x7, v3;
	v4 =	vand.u32 $0xFFFFFFC0, v62  }
0x7a: {  	v3 =	vor.u32 v3, v4  }
0x7b: {  	v4 =	vperm.xlane v3, v0;
	_ =	sdelay $0x1  }
0x7c: {  	v4 =	vadd.s32 v1, v4;
	_ =	sdelay $0x4  }
0x7d: {  	[tilespmem:s19], [sflag:$0x5] =	stream.indirect_vreg.gather [hbm4b:s2+s3], $0x80, v4, vm0, $0xb8;
	[tilespmem:$0x19000] =	vst v63  }
0x7e: {  	s17 =	simm.s32 $0x11800;
	v3 =	vperm.xlane v3, v2  }
0x7f: {  	[tilespmem:s17], [sflag:$0x5] =	stream.indirect_vreg.gather [hbm4b:s5+s3], $0x80, v4, vm0, $0xb8;
	[tilespmem:$0x19000] =	vst v63  }
0x80: {  	s18 =	simm.s32 $0x12000;
	v3 =	vadd.s32 v1, v3  }
0x81: {  	[tilespmem:s18], [sflag:$0x5] =	stream.indirect_vreg.gather [hbm4b:s6+s3], $0x80, v4, vm0, $0xb8;
	[tilespmem:$0x19000] =	vst v63  }
0x82: {  	s19 =	simm.s32 $0x12800  }
0x83: {  	[tilespmem:s19], [sflag:$0x5] =	stream.indirect_vreg.gather [hbm4b:s7+s3], $0x80, v4, vm0, $0xb8;
	[tilespmem:$0x19000] =	vst v63  }
0x84: {  	s20 =	simm.s32 $0x13000  }
0x85: {  	[tilespmem:s20], [sflag:$0x5] =	stream.indirect_vreg.gather [hbm4b:s2+s3], $0x80, v3, vm0, $0xb8;
	[tilespmem:$0x19000] =	vst v63  }
0x86: {  	s23 =	simm.s32 $0x13800  }
0x87: {  	[tilespmem:s23], [sflag:$0x5] =	stream.indirect_vreg.gather [hbm4b:s5+s3], $0x80, v3, vm0, $0xb8;
	[tilespmem:$0x19000] =	vst v63  }
0x88: {  	s26 =	simm.s32 $0x14000  }
0x89: {  	[tilespmem:s26], [sflag:$0x5] =	stream.indirect_vreg.gather [hbm4b:s6+s3], $0x80, v3, vm0, $0xb8;
	[tilespmem:$0x19000] =	vst v63  }
0x8a: {  	s31 =	simm.s32 $0x14800  }
0x8b: {  	[tilespmem:s31], [sflag:$0x5] =	stream.indirect_vreg.gather [hbm4b:s7+s3], $0x80, v3, vm0, $0xb8;
	[tilespmem:$0x19000] =	vst v63  }
0x8c: {  	_ =	swait.ge [sflag:s16], $0x4000  }
0x8d: {  	[sflag:s16] =	ssyncset.done $0x0  }
0x8e: {  	s1 =	simm.s32 $0x1000;
	s0 =	rddreg [dreg:$0x6];
	[sflag:s16] =	ssyncadd.s32 $0xFFFFC000  }
0x8f: {  	[hbm4b:s0+s3] =	stream.linear.scatter [tilespmem:s1], [sflag:$0x7], $0x4000, $0x38;
	[tilespmem:$0x19000] =	vst v63  }
0x90: {  	v3 =	vld [tilespmem:$0x280];
	_ =	sdelay $0x4  }
0x91: {  	v63 =	vshll.u32 v3, $0x3  }
0x92: {  	v3 =	vand.u32 $0x7, v3;
	v4 =	vand.u32 $0xFFFFFFC0, v63  }
0x93: {  	v3 =	vor.u32 v3, v4  }
0x94: {  	v4 =	vperm.xlane v3, v0;
	_ =	sdelay $0x1  }
0x95: {  	v4 =	vadd.s32 v1, v4;
	_ =	sdelay $0x4  }
0x96: {  	[tilespmem:s9], [sflag:$0x6] =	stream.indirect_vreg.gather [hbm4b:s2+s3], $0x80, v4, vm0, $0xb8;
	[tilespmem:$0x19000] =	vst v63  }
0x97: {  	s8 =	simm.s32 $0x15800;
	v3 =	vperm.xlane v3, v2  }
0x98: {  	[tilespmem:s8], [sflag:$0x6] =	stream.indirect_vreg.gather [hbm4b:s5+s3], $0x80, v4, vm0, $0xb8;
	[tilespmem:$0x19000] =	vst v63  }
0x99: {  	v3 =	vadd.s32 v1, v3;
	s9 =	simm.s32 $0x16000  }
0x9a: {  	[tilespmem:s9], [sflag:$0x6] =	stream.indirect_vreg.gather [hbm4b:s6+s3], $0x80, v4, vm0, $0xb8;
	[tilespmem:$0x19000] =	vst v63  }
0x9b: {  	s17 =	simm.s32 $0x16800  }
0x9c: {  	[tilespmem:s17], [sflag:$0x6] =	stream.indirect_vreg.gather [hbm4b:s7+s3], $0x80, v4, vm0, $0xb8;
	[tilespmem:$0x19000] =	vst v63  }
0x9d: {  	s18 =	simm.s32 $0x17000  }
0x9e: {  	[tilespmem:s18], [sflag:$0x6] =	stream.indirect_vreg.gather [hbm4b:s2+s3], $0x80, v3, vm0, $0xb8;
	[tilespmem:$0x19000] =	vst v63  }
0x9f: {  	s19 =	simm.s32 $0x17800  }
0xa0: {  	[tilespmem:s19], [sflag:$0x6] =	stream.indirect_vreg.gather [hbm4b:s5+s3], $0x80, v3, vm0, $0xb8;
	[tilespmem:$0x19000] =	vst v63  }
0xa1: {  	s20 =	simm.s32 $0x18000  }
0xa2: {  	[tilespmem:s20], [sflag:$0x6] =	stream.indirect_vreg.gather [hbm4b:s6+s3], $0x80, v3, vm0, $0xb8;
	[tilespmem:$0x19000] =	vst v63  }
0xa3: {  	s29 =	simm.s32 $0xC000;
	s23 =	simm.s32 $0x18800  }
0xa4: {  	[tilespmem:s23], [sflag:$0x6] =	stream.indirect_vreg.gather [hbm4b:s7+s3], $0x80, v3, vm0, $0xb8;
	[tilespmem:$0x19000] =	vst v63  }
0xa5: {  	s28 =	simm.s32 $0x580;
	s30 =	simm.s32 $0x0;
	_ =	swait.ge [sflag:s4], $0x4000  }
0xa6: {  	s31 =	simm.s32 $0x5000;
	s1 =	simm.s32 $0xD800;
	[sflag:s4] =	ssyncset.done $0x0  }
0xa7: {  	s20 =	simm.s32 $0xE000;
	s26 =	rddreg [dreg:$0x7];
	[sflag:s4] =	ssyncadd.s32 $0xFFFFC000  }
0xa8: {  	[hbm4b:s26+s3] =	stream.linear.scatter [tilespmem:s31], [sflag:$0x8], $0x4000, $0x38;
	[tilespmem:$0x19000] =	vst v63  }
.LBB2_2:
0xa9: {  	_ =	swait.ge [sflag:s21], $0x4000  }
0xaa: {  	[sflag:s21] =	ssyncset.done $0x0  }
0xab: {  	[sflag:s21] =	ssyncadd.s32 $0xFFFFC000  }
0xac: {  	v3 =	vld [tilespmem:s28+$0xFFFFFD80];
	_ =	sdelay $0x4  }
0xad: {  	v4 =	vshll.u32 v3, $0x3  }
0xae: {  	v3 =	vand.u32 $0x7, v3;
	v4 =	vand.u32 $0xFFFFFFC0, v4  }
0xaf: {  	v3 =	vor.u32 v3, v4  }
0xb0: {  	v4 =	vperm.xlane v3, v0;
	_ =	sdelay $0x1  }
0xb1: {  	v4 =	vadd.s32 v1, v4;
	_ =	sdelay $0x3  }
0xb2: {  	s9 =	simm.s32 $0x1000  }
0xb3: {  	[tilespmem:s9], [sflag:$0x1] =	stream.indirect_vreg.gather [hbm4b:s2+s3], $0x80, v4, vm0, $0xb8;
	[tilespmem:$0x19000] =	vst v63  }
0xb4: {  	s17 =	simm.s32 $0x1800;
	v3 =	vperm.xlane v3, v2  }
0xb5: {  	[tilespmem:s17], [sflag:$0x1] =	stream.indirect_vreg.gather [hbm4b:s5+s3], $0x80, v4, vm0, $0xb8;
	[tilespmem:$0x19000] =	vst v63  }
0xb6: {  	s8 =	simm.s32 $0x2000;
	v3 =	vadd.s32 v1, v3  }
0xb7: {  	[tilespmem:s8], [sflag:$0x1] =	stream.indirect_vreg.gather [hbm4b:s6+s3], $0x80, v4, vm0, $0xb8;
	[tilespmem:$0x19000] =	vst v63  }
0xb8: {  	s18 =	simm.s32 $0x2800  }
0xb9: {  	[tilespmem:s18], [sflag:$0x1] =	stream.indirect_vreg.gather [hbm4b:s7+s3], $0x80, v4, vm0, $0xb8;
	[tilespmem:$0x19000] =	vst v63  }
0xba: {  	s19 =	simm.s32 $0x3000  }
0xbb: {  	[tilespmem:s19], [sflag:$0x1] =	stream.indirect_vreg.gather [hbm4b:s2+s3], $0x80, v3, vm0, $0xb8;
	[tilespmem:$0x19000] =	vst v63  }
0xbc: {  	s23 =	simm.s32 $0x3800  }
0xbd: {  	[tilespmem:s23], [sflag:$0x1] =	stream.indirect_vreg.gather [hbm4b:s5+s3], $0x80, v3, vm0, $0xb8;
	[tilespmem:$0x19000] =	vst v63  }
0xbe: {  	s26 =	simm.s32 $0x4000  }
0xbf: {  	[tilespmem:s26], [sflag:$0x1] =	stream.indirect_vreg.gather [hbm4b:s6+s3], $0x80, v3, vm0, $0xb8;
	[tilespmem:$0x19000] =	vst v63  }
0xc0: {  	s31 =	simm.s32 $0x4800  }
0xc1: {  	[tilespmem:s31], [sflag:$0x1] =	stream.indirect_vreg.gather [hbm4b:s7+s3], $0x80, v3, vm0, $0xb8;
	[tilespmem:$0x19000] =	vst v63  }
0xc2: {  	_ =	swait.ge [sflag:s10], $0x4000  }
0xc3: {  	s31 =	rddreg [dreg:$0x4]  }
0xc4: {  	[sflag:s10] =	ssyncset.done $0x0;
	s31 =	sadd.s32 s30, s31  }
0xc5: {  	s8 =	simm.s32 $0x9000;
	[sflag:s10] =	ssyncadd.s32 $0xFFFFC000;
	s0 =	sadd.s32 $0x1000, s31  }
0xc6: {  	[hbm4b:s0+s3] =	stream.linear.scatter [tilespmem:s8], [sflag:$0x9], $0x4000, $0x38;
	[tilespmem:$0x19000] =	vst v63  }
0xc7: {  	_ =	swait.ge [sflag:s22], $0x4000  }
0xc8: {  	[sflag:s22] =	ssyncset.done $0x0  }
0xc9: {  	[sflag:s22] =	ssyncadd.s32 $0xFFFFC000  }
0xca: {  	v3 =	vld [tilespmem:s28+$0xFFFFFE00];
	_ =	sdelay $0x4  }
0xcb: {  	v59 =	vshll.u32 v3, $0x3  }
0xcc: {  	v3 =	vand.u32 $0x7, v3;
	v4 =	vand.u32 $0xFFFFFFC0, v59  }
0xcd: {  	v3 =	vor.u32 v3, v4  }
0xce: {  	v4 =	vperm.xlane v3, v0;
	_ =	sdelay $0x1  }
0xcf: {  	v4 =	vadd.s32 v1, v4;
	_ =	sdelay $0x3  }
0xd0: {  	s23 =	simm.s32 $0x5000  }
0xd1: {  	[tilespmem:s23], [sflag:$0x2] =	stream.indirect_vreg.gather [hbm4b:s2+s3], $0x80, v4, vm0, $0xb8;
	[tilespmem:$0x19000] =	vst v63  }
0xd2: {  	s18 =	simm.s32 $0x5800;
	v3 =	vperm.xlane v3, v2  }
0xd3: {  	[tilespmem:s18], [sflag:$0x2] =	stream.indirect_vreg.gather [hbm4b:s5+s3], $0x80, v4, vm0, $0xb8;
	[tilespmem:$0x19000] =	vst v63  }
0xd4: {  	s19 =	simm.s32 $0x6000;
	v3 =	vadd.s32 v1, v3  }
0xd5: {  	[tilespmem:s19], [sflag:$0x2] =	stream.indirect_vreg.gather [hbm4b:s6+s3], $0x80, v4, vm0, $0xb8;
	[tilespmem:$0x19000] =	vst v63  }
0xd6: {  	s26 =	simm.s32 $0x6800  }
0xd7: {  	[tilespmem:s26], [sflag:$0x2] =	stream.indirect_vreg.gather [hbm4b:s7+s3], $0x80, v4, vm0, $0xb8;
	[tilespmem:$0x19000] =	vst v63  }
0xd8: {  	s0 =	simm.s32 $0x7000  }
0xd9: {  	[tilespmem:s0], [sflag:$0x2] =	stream.indirect_vreg.gather [hbm4b:s2+s3], $0x80, v3, vm0, $0xb8;
	[tilespmem:$0x19000] =	vst v63  }
0xda: {  	s18 =	simm.s32 $0x7800  }
0xdb: {  	[tilespmem:s18], [sflag:$0x2] =	stream.indirect_vreg.gather [hbm4b:s5+s3], $0x80, v3, vm0, $0xb8;
	[tilespmem:$0x19000] =	vst v63  }
0xdc: {  	s19 =	simm.s32 $0x8000  }
0xdd: {  	[tilespmem:s19], [sflag:$0x2] =	stream.indirect_vreg.gather [hbm4b:s6+s3], $0x80, v3, vm0, $0xb8;
	[tilespmem:$0x19000] =	vst v63  }
0xde: {  	s26 =	simm.s32 $0x8800  }
0xdf: {  	[tilespmem:s26], [sflag:$0x2] =	stream.indirect_vreg.gather [hbm4b:s7+s3], $0x80, v3, vm0, $0xb8;
	[tilespmem:$0x19000] =	vst v63  }
0xe0: {  	_ =	swait.ge [sflag:s11], $0x4000  }
0xe1: {  	[sflag:s11] =	ssyncset.done $0x0  }
0xe2: {  	s0 =	sadd.s32 $0x1800, s31;
	s19 =	simm.s32 $0xD000;
	[sflag:s11] =	ssyncadd.s32 $0xFFFFC000  }
0xe3: {  	[hbm4b:s0+s3] =	stream.linear.scatter [tilespmem:s19], [sflag:$0xA], $0x4000, $0x38;
	[tilespmem:$0x19000] =	vst v63  }
0xe4: {  	_ =	swait.ge [sflag:s12], $0x4000  }
0xe5: {  	[sflag:s12] =	ssyncset.done $0x0  }
0xe6: {  	[sflag:s12] =	ssyncadd.s32 $0xFFFFC000  }
0xe7: {  	v3 =	vld [tilespmem:s28+$0xFFFFFE80];
	_ =	sdelay $0x4  }
0xe8: {  	v60 =	vshll.u32 v3, $0x3  }
0xe9: {  	v3 =	vand.u32 $0x7, v3;
	v4 =	vand.u32 $0xFFFFFFC0, v60  }
0xea: {  	v3 =	vor.u32 v3, v4  }
0xeb: {  	v4 =	vperm.xlane v3, v0;
	_ =	sdelay $0x1  }
0xec: {  	v4 =	vadd.s32 v1, v4;
	_ =	sdelay $0x4  }
0xed: {  	[tilespmem:s8], [sflag:$0x3] =	stream.indirect_vreg.gather [hbm4b:s2+s3], $0x80, v4, vm0, $0xb8;
	[tilespmem:$0x19000] =	vst v63  }
0xee: {  	s0 =	simm.s32 $0x9800;
	v3 =	vperm.xlane v3, v2  }
0xef: {  	[tilespmem:s0], [sflag:$0x3] =	stream.indirect_vreg.gather [hbm4b:s5+s3], $0x80, v4, vm0, $0xb8;
	[tilespmem:$0x19000] =	vst v63  }
0xf0: {  	s17 =	simm.s32 $0xA000;
	v3 =	vadd.s32 v1, v3  }
0xf1: {  	[tilespmem:s17], [sflag:$0x3] =	stream.indirect_vreg.gather [hbm4b:s6+s3], $0x80, v4, vm0, $0xb8;
	[tilespmem:$0x19000] =	vst v63  }
0xf2: {  	s18 =	simm.s32 $0xA800  }
0xf3: {  	[tilespmem:s18], [sflag:$0x3] =	stream.indirect_vreg.gather [hbm4b:s7+s3], $0x80, v4, vm0, $0xb8;
	[tilespmem:$0x19000] =	vst v63  }
0xf4: {  	s8 =	simm.s32 $0xB000  }
0xf5: {  	[tilespmem:s8], [sflag:$0x3] =	stream.indirect_vreg.gather [hbm4b:s2+s3], $0x80, v3, vm0, $0xb8;
	[tilespmem:$0x19000] =	vst v63  }
0xf6: {  	s17 =	simm.s32 $0xB800  }
0xf7: {  	[tilespmem:s17], [sflag:$0x3] =	stream.indirect_vreg.gather [hbm4b:s5+s3], $0x80, v3, vm0, $0xb8;
	[tilespmem:$0x19000] =	vst v63  }
0xf8: {  	_ = 	snop  }
0xf9: {  	[tilespmem:s29], [sflag:$0x3] =	stream.indirect_vreg.gather [hbm4b:s6+s3], $0x80, v3, vm0, $0xb8;
	[tilespmem:$0x19000] =	vst v63  }
0xfa: {  	s18 =	simm.s32 $0xC800  }
0xfb: {  	[tilespmem:s18], [sflag:$0x3] =	stream.indirect_vreg.gather [hbm4b:s7+s3], $0x80, v3, vm0, $0xb8;
	[tilespmem:$0x19000] =	vst v63  }
0xfc: {  	_ =	swait.ge [sflag:s24], $0x4000  }
0xfd: {  	[sflag:s24] =	ssyncset.done $0x0  }
0xfe: {  	s8 =	sadd.s32 $0x2000, s31;
	s18 =	simm.s32 $0x11000;
	[sflag:s24] =	ssyncadd.s32 $0xFFFFC000  }
0xff: {  	[hbm4b:s8+s3] =	stream.linear.scatter [tilespmem:s18], [sflag:$0xB], $0x4000, $0x38;
	[tilespmem:$0x19000] =	vst v63  }
0x100: {  	_ =	swait.ge [sflag:s13], $0x4000  }
0x101: {  	[sflag:s13] =	ssyncset.done $0x0  }
0x102: {  	[sflag:s13] =	ssyncadd.s32 $0xFFFFC000  }
0x103: {  	v3 =	vld [tilespmem:s28+$0xFFFFFF00];
	_ =	sdelay $0x4  }
0x104: {  	v61 =	vshll.u32 v3, $0x3  }
0x105: {  	v3 =	vand.u32 $0x7, v3;
	v4 =	vand.u32 $0xFFFFFFC0, v61  }
0x106: {  	v3 =	vor.u32 v3, v4  }
0x107: {  	v4 =	vperm.xlane v3, v0;
	_ =	sdelay $0x1  }
0x108: {  	v4 =	vadd.s32 v1, v4;
	_ =	sdelay $0x4  }
0x109: {  	[tilespmem:s19], [sflag:$0x4] =	stream.indirect_vreg.gather [hbm4b:s2+s3], $0x80, v4, vm0, $0xb8;
	[tilespmem:$0x19000] =	vst v63  }
0x10a: {  	v3 =	vperm.xlane v3, v2  }
0x10b: {  	[tilespmem:s1], [sflag:$0x4] =	stream.indirect_vreg.gather [hbm4b:s5+s3], $0x80, v4, vm0, $0xb8;
	[tilespmem:$0x19000] =	vst v63  }
0x10c: {  	v3 =	vadd.s32 v1, v3  }
0x10d: {  	[tilespmem:s20], [sflag:$0x4] =	stream.indirect_vreg.gather [hbm4b:s6+s3], $0x80, v4, vm0, $0xb8;
	[tilespmem:$0x19000] =	vst v63  }
0x10e: {  	s17 =	simm.s32 $0xE800  }
0x10f: {  	[tilespmem:s17], [sflag:$0x4] =	stream.indirect_vreg.gather [hbm4b:s7+s3], $0x80, v4, vm0, $0xb8;
	[tilespmem:$0x19000] =	vst v63  }
0x110: {  	s19 =	simm.s32 $0xF000  }
0x111: {  	[tilespmem:s19], [sflag:$0x4] =	stream.indirect_vreg.gather [hbm4b:s2+s3], $0x80, v3, vm0, $0xb8;
	[tilespmem:$0x19000] =	vst v63  }
0x112: {  	s17 =	simm.s32 $0xF800  }
0x113: {  	[tilespmem:s17], [sflag:$0x4] =	stream.indirect_vreg.gather [hbm4b:s5+s3], $0x80, v3, vm0, $0xb8;
	[tilespmem:$0x19000] =	vst v63  }
0x114: {  	s19 =	simm.s32 $0x10000  }
0x115: {  	[tilespmem:s19], [sflag:$0x4] =	stream.indirect_vreg.gather [hbm4b:s6+s3], $0x80, v3, vm0, $0xb8;
	[tilespmem:$0x19000] =	vst v63  }
0x116: {  	s17 =	simm.s32 $0x10800  }
0x117: {  	[tilespmem:s17], [sflag:$0x4] =	stream.indirect_vreg.gather [hbm4b:s7+s3], $0x80, v3, vm0, $0xb8;
	[tilespmem:$0x19000] =	vst v63  }
0x118: {  	_ =	swait.ge [sflag:s25], $0x4000  }
0x119: {  	[sflag:s25] =	ssyncset.done $0x0  }
0x11a: {  	s0 =	simm.s32 $0x15000;
	s19 =	sadd.s32 $0x2800, s31;
	[sflag:s25] =	ssyncadd.s32 $0xFFFFC000  }
0x11b: {  	[hbm4b:s19+s3] =	stream.linear.scatter [tilespmem:s0], [sflag:$0xC], $0x4000, $0x38;
	[tilespmem:$0x19000] =	vst v63  }
0x11c: {  	_ =	swait.ge [sflag:s14], $0x4000  }
0x11d: {  	[sflag:s14] =	ssyncset.done $0x0  }
0x11e: {  	[sflag:s14] =	ssyncadd.s32 $0xFFFFC000  }
0x11f: {  	v3 =	vld [tilespmem:s28+$0xFFFFFF80];
	_ =	sdelay $0x4  }
0x120: {  	v62 =	vshll.u32 v3, $0x3  }
0x121: {  	v3 =	vand.u32 $0x7, v3;
	v4 =	vand.u32 $0xFFFFFFC0, v62  }
0x122: {  	v3 =	vor.u32 v3, v4  }
0x123: {  	v4 =	vperm.xlane v3, v0;
	_ =	sdelay $0x1  }
0x124: {  	v4 =	vadd.s32 v1, v4;
	_ =	sdelay $0x4  }
0x125: {  	[tilespmem:s18], [sflag:$0x5] =	stream.indirect_vreg.gather [hbm4b:s2+s3], $0x80, v4, vm0, $0xb8;
	[tilespmem:$0x19000] =	vst v63  }
0x126: {  	v3 =	vperm.xlane v3, v2;
	s18 =	simm.s32 $0x11800  }
0x127: {  	[tilespmem:s18], [sflag:$0x5] =	stream.indirect_vreg.gather [hbm4b:s5+s3], $0x80, v4, vm0, $0xb8;
	[tilespmem:$0x19000] =	vst v63  }
0x128: {  	v3 =	vadd.s32 v1, v3;
	s18 =	simm.s32 $0x12000  }
0x129: {  	[tilespmem:s18], [sflag:$0x5] =	stream.indirect_vreg.gather [hbm4b:s6+s3], $0x80, v4, vm0, $0xb8;
	[tilespmem:$0x19000] =	vst v63  }
0x12a: {  	s18 =	simm.s32 $0x12800  }
0x12b: {  	[tilespmem:s18], [sflag:$0x5] =	stream.indirect_vreg.gather [hbm4b:s7+s3], $0x80, v4, vm0, $0xb8;
	[tilespmem:$0x19000] =	vst v63  }
0x12c: {  	s18 =	simm.s32 $0x13000  }
0x12d: {  	[tilespmem:s18], [sflag:$0x5] =	stream.indirect_vreg.gather [hbm4b:s2+s3], $0x80, v3, vm0, $0xb8;
	[tilespmem:$0x19000] =	vst v63  }
0x12e: {  	s18 =	simm.s32 $0x13800  }
0x12f: {  	[tilespmem:s18], [sflag:$0x5] =	stream.indirect_vreg.gather [hbm4b:s5+s3], $0x80, v3, vm0, $0xb8;
	[tilespmem:$0x19000] =	vst v63  }
0x130: {  	s18 =	simm.s32 $0x14000  }
0x131: {  	[tilespmem:s18], [sflag:$0x5] =	stream.indirect_vreg.gather [hbm4b:s6+s3], $0x80, v3, vm0, $0xb8;
	[tilespmem:$0x19000] =	vst v63  }
0x132: {  	s18 =	simm.s32 $0x14800  }
0x133: {  	[tilespmem:s18], [sflag:$0x5] =	stream.indirect_vreg.gather [hbm4b:s7+s3], $0x80, v3, vm0, $0xb8;
	[tilespmem:$0x19000] =	vst v63  }
0x134: {  	_ =	swait.ge [sflag:s16], $0x4000  }
0x135: {  	[sflag:s16] =	ssyncset.done $0x0  }
0x136: {  	s18 =	sadd.s32 $0x3000, s31;
	[sflag:s16] =	ssyncadd.s32 $0xFFFFC000  }
0x137: {  	[hbm4b:s18+s3] =	stream.linear.scatter [tilespmem:s9], [sflag:$0x7], $0x4000, $0x38;
	[tilespmem:$0x19000] =	vst v63  }
0x138: {  	_ =	swait.ge [sflag:s15], $0x4000  }
0x139: {  	[sflag:s15] =	ssyncset.done $0x0  }
0x13a: {  	[sflag:s15] =	ssyncadd.s32 $0xFFFFC000  }
0x13b: {  	v3 =	vld [tilespmem:s28+$0x0];
	_ =	sdelay $0x4  }
0x13c: {  	v63 =	vshll.u32 v3, $0x3  }
0x13d: {  	v3 =	vand.u32 $0x7, v3;
	v4 =	vand.u32 $0xFFFFFFC0, v63  }
0x13e: {  	v3 =	vor.u32 v3, v4  }
0x13f: {  	v4 =	vperm.xlane v3, v0;
	_ =	sdelay $0x1  }
0x140: {  	v4 =	vadd.s32 v1, v4;
	_ =	sdelay $0x4  }
0x141: {  	[tilespmem:s0], [sflag:$0x6] =	stream.indirect_vreg.gather [hbm4b:s2+s3], $0x80, v4, vm0, $0xb8;
	[tilespmem:$0x19000] =	vst v63  }
0x142: {  	s18 =	simm.s32 $0x15800;
	v3 =	vperm.xlane v3, v2  }
0x143: {  	[tilespmem:s18], [sflag:$0x6] =	stream.indirect_vreg.gather [hbm4b:s5+s3], $0x80, v4, vm0, $0xb8;
	[tilespmem:$0x19000] =	vst v63  }
0x144: {  	s17 =	simm.s32 $0x16000;
	v3 =	vadd.s32 v1, v3  }
0x145: {  	[tilespmem:s17], [sflag:$0x6] =	stream.indirect_vreg.gather [hbm4b:s6+s3], $0x80, v4, vm0, $0xb8;
	[tilespmem:$0x19000] =	vst v63  }
0x146: {  	s18 =	simm.s32 $0x16800  }
0x147: {  	[tilespmem:s18], [sflag:$0x6] =	stream.indirect_vreg.gather [hbm4b:s7+s3], $0x80, v4, vm0, $0xb8;
	[tilespmem:$0x19000] =	vst v63  }
0x148: {  	s17 =	simm.s32 $0x17000  }
0x149: {  	[tilespmem:s17], [sflag:$0x6] =	stream.indirect_vreg.gather [hbm4b:s2+s3], $0x80, v3, vm0, $0xb8;
	[tilespmem:$0x19000] =	vst v63  }
0x14a: {  	s18 =	simm.s32 $0x17800  }
0x14b: {  	[tilespmem:s18], [sflag:$0x6] =	stream.indirect_vreg.gather [hbm4b:s5+s3], $0x80, v3, vm0, $0xb8;
	[tilespmem:$0x19000] =	vst v63  }
0x14c: {  	s17 =	simm.s32 $0x18000  }
0x14d: {  	[tilespmem:s17], [sflag:$0x6] =	stream.indirect_vreg.gather [hbm4b:s6+s3], $0x80, v3, vm0, $0xb8;
	[tilespmem:$0x19000] =	vst v63  }
0x14e: {  	p0 =	sne.s32 s30, $0x9000;
	s18 =	simm.s32 $0x18800  }
0x14f: {  	[tilespmem:s18], [sflag:$0x6] =	stream.indirect_vreg.gather [hbm4b:s7+s3], $0x80, v3, vm0, $0xb8;
	[tilespmem:$0x19000] =	vst v63  }
.Ltmp0:
0x150: {  	s30 =	sadd.s32 $0x3000, s30;
	(pc) =	sbr.rel @p0 .LBB2_2-.Ltmp0, $4  }
0x151: {  	s26 =	simm.s32 $0x9000;
	s8 =	simm.s32 $0xD000;
	_ =	swait.ge [sflag:s4], $0x4000  }
0x152: {  	s19 =	simm.s32 $0x11000;
	s31 =	sadd.s32 $0x3800, s31;
	[sflag:s4] =	ssyncset.done $0x0  }
0x153: {  	s9 =	simm.s32 $0x15000;
	s28 =	sadd.s32 $0x300, s28;
	[sflag:s4] =	ssyncadd.s32 $0xFFFFC000  }
0x154: {  	[hbm4b:s31+s3] =	stream.linear.scatter [tilespmem:s23], [sflag:$0x8], $0x4000, $0x38;
	[tilespmem:$0x19000] =	vst v63  }
0x155: {  	_ =	swait.ge [sflag:s21], $0x4000  }
0x156: {  	[sflag:s21] =	ssyncset.done $0x0  }
0x157: {  	[sflag:s21] =	ssyncadd.s32 $0xFFFFC000  }
0x158: {  	v3 =	vld [tilespmem:$0xF00];
	_ =	sdelay $0x4  }
0x159: {  	v4 =	vshll.u32 v3, $0x3  }
0x15a: {  	v3 =	vand.u32 $0x7, v3;
	v4 =	vand.u32 $0xFFFFFFC0, v4  }
0x15b: {  	v3 =	vor.u32 v3, v4  }
0x15c: {  	v4 =	vperm.xlane v3, v0;
	_ =	sdelay $0x1  }
0x15d: {  	v4 =	vadd.s32 v1, v4;
	_ =	sdelay $0x3  }
0x15e: {  	s0 =	simm.s32 $0x1000  }
0x15f: {  	[tilespmem:s0], [sflag:$0x1] =	stream.indirect_vreg.gather [hbm4b:s2+s3], $0x80, v4, vm0, $0xb8;
	[tilespmem:$0x19000] =	vst v63  }
0x160: {  	s17 =	simm.s32 $0x1800;
	v3 =	vperm.xlane v3, v2  }
0x161: {  	[tilespmem:s17], [sflag:$0x1] =	stream.indirect_vreg.gather [hbm4b:s5+s3], $0x80, v4, vm0, $0xb8;
	[tilespmem:$0x19000] =	vst v63  }
0x162: {  	s23 =	simm.s32 $0x2000;
	v3 =	vadd.s32 v1, v3  }
0x163: {  	[tilespmem:s23], [sflag:$0x1] =	stream.indirect_vreg.gather [hbm4b:s6+s3], $0x80, v4, vm0, $0xb8;
	[tilespmem:$0x19000] =	vst v63  }
0x164: {  	s1 =	simm.s32 $0x2800  }
0x165: {  	[tilespmem:s1], [sflag:$0x1] =	stream.indirect_vreg.gather [hbm4b:s7+s3], $0x80, v4, vm0, $0xb8;
	[tilespmem:$0x19000] =	vst v63  }
0x166: {  	s18 =	simm.s32 $0x3000  }
0x167: {  	[tilespmem:s18], [sflag:$0x1] =	stream.indirect_vreg.gather [hbm4b:s2+s3], $0x80, v3, vm0, $0xb8;
	[tilespmem:$0x19000] =	vst v63  }
0x168: {  	s20 =	simm.s32 $0x3800  }
0x169: {  	[tilespmem:s20], [sflag:$0x1] =	stream.indirect_vreg.gather [hbm4b:s5+s3], $0x80, v3, vm0, $0xb8;
	[tilespmem:$0x19000] =	vst v63  }
0x16a: {  	s23 =	simm.s32 $0x4000  }
0x16b: {  	[tilespmem:s23], [sflag:$0x1] =	stream.indirect_vreg.gather [hbm4b:s6+s3], $0x80, v3, vm0, $0xb8;
	[tilespmem:$0x19000] =	vst v63  }
0x16c: {  	s1 =	simm.s32 $0x4800  }
0x16d: {  	[tilespmem:s1], [sflag:$0x1] =	stream.indirect_vreg.gather [hbm4b:s7+s3], $0x80, v3, vm0, $0xb8;
	[tilespmem:$0x19000] =	vst v63  }
0x16e: {  	_ =	swait.ge [sflag:s10], $0x4000  }
0x16f: {  	[sflag:s10] =	ssyncset.done $0x0  }
0x170: {  	s18 =	rddreg [dreg:$0x8];
	[sflag:s10] =	ssyncadd.s32 $0xFFFFC000  }
0x171: {  	[hbm4b:s18+s3] =	stream.linear.scatter [tilespmem:s26], [sflag:$0x9], $0x4000, $0x38;
	[tilespmem:$0x19000] =	vst v63  }
0x172: {  	_ =	swait.ge [sflag:s22], $0x4000  }
0x173: {  	[sflag:s22] =	ssyncset.done $0x0  }
0x174: {  	[sflag:s22] =	ssyncadd.s32 $0xFFFFC000  }
0x175: {  	v3 =	vld [tilespmem:$0xF80];
	_ =	sdelay $0x4  }
0x176: {  	v63 =	vshll.u32 v3, $0x3  }
0x177: {  	v3 =	vand.u32 $0x7, v3;
	v4 =	vand.u32 $0xFFFFFFC0, v63  }
0x178: {  	v3 =	vor.u32 v3, v4  }
0x179: {  	v4 =	vperm.xlane v3, v0;
	_ =	sdelay $0x1  }
0x17a: {  	v4 =	vadd.s32 v1, v4;
	_ =	sdelay $0x3  }
0x17b: {  	s1 =	simm.s32 $0x5000  }
0x17c: {  	[tilespmem:s1], [sflag:$0x2] =	stream.indirect_vreg.gather [hbm4b:s2+s3], $0x80, v4, vm0, $0xb8;
	[tilespmem:$0x19000] =	vst v63  }
0x17d: {  	s20 =	simm.s32 $0x5800;
	v3 =	vperm.xlane v3, v2  }
0x17e: {  	[tilespmem:s20], [sflag:$0x2] =	stream.indirect_vreg.gather [hbm4b:s5+s3], $0x80, v4, vm0, $0xb8;
	[tilespmem:$0x19000] =	vst v63  }
0x17f: {  	s23 =	simm.s32 $0x6000;
	v3 =	vadd.s32 v1, v3  }
0x180: {  	[tilespmem:s23], [sflag:$0x2] =	stream.indirect_vreg.gather [hbm4b:s6+s3], $0x80, v4, vm0, $0xb8;
	[tilespmem:$0x19000] =	vst v63  }
0x181: {  	s18 =	simm.s32 $0x6800  }
0x182: {  	[tilespmem:s18], [sflag:$0x2] =	stream.indirect_vreg.gather [hbm4b:s7+s3], $0x80, v4, vm0, $0xb8;
	[tilespmem:$0x19000] =	vst v63  }
0x183: {  	s20 =	simm.s32 $0x7000  }
0x184: {  	[tilespmem:s20], [sflag:$0x2] =	stream.indirect_vreg.gather [hbm4b:s2+s3], $0x80, v3, vm0, $0xb8;
	[tilespmem:$0x19000] =	vst v63  }
0x185: {  	s23 =	simm.s32 $0x7800  }
0x186: {  	[tilespmem:s23], [sflag:$0x2] =	stream.indirect_vreg.gather [hbm4b:s5+s3], $0x80, v3, vm0, $0xb8;
	[tilespmem:$0x19000] =	vst v63  }
0x187: {  	s18 =	simm.s32 $0x8000  }
0x188: {  	[tilespmem:s18], [sflag:$0x2] =	stream.indirect_vreg.gather [hbm4b:s6+s3], $0x80, v3, vm0, $0xb8;
	[tilespmem:$0x19000] =	vst v63  }
0x189: {  	s20 =	simm.s32 $0x8800  }
0x18a: {  	[tilespmem:s20], [sflag:$0x2] =	stream.indirect_vreg.gather [hbm4b:s7+s3], $0x80, v3, vm0, $0xb8;
	[tilespmem:$0x19000] =	vst v63  }
0x18b: {  	_ =	swait.ge [sflag:s11], $0x4000  }
0x18c: {  	[sflag:s11] =	ssyncset.done $0x0  }
0x18d: {  	s23 =	rddreg [dreg:$0x9];
	[sflag:s11] =	ssyncadd.s32 $0xFFFFC000  }
0x18e: {  	[hbm4b:s23+s3] =	stream.linear.scatter [tilespmem:s8], [sflag:$0xA], $0x4000, $0x38;
	[tilespmem:$0x19000] =	vst v63  }
0x18f: {  	_ =	swait.ge [sflag:s24], $0x4000  }
0x190: {  	[sflag:s24] =	ssyncset.done $0x0  }
0x191: {  	s18 =	rddreg [dreg:$0xa];
	[sflag:s24] =	ssyncadd.s32 $0xFFFFC000  }
0x192: {  	[hbm4b:s18+s3] =	stream.linear.scatter [tilespmem:s19], [sflag:$0xB], $0x4000, $0x38;
	[tilespmem:$0x19000] =	vst v63  }
0x193: {  	_ =	swait.ge [sflag:s25], $0x4000  }
0x194: {  	[sflag:s25] =	ssyncset.done $0x0  }
0x195: {  	s20 =	rddreg [dreg:$0xb];
	[sflag:s25] =	ssyncadd.s32 $0xFFFFC000  }
0x196: {  	[hbm4b:s20+s3] =	stream.linear.scatter [tilespmem:s9], [sflag:$0xC], $0x4000, $0x38;
	[tilespmem:$0x19000] =	vst v63  }
0x197: {  	_ =	swait.ge [sflag:s16], $0x4000  }
0x198: {  	[sflag:s16] =	ssyncset.done $0x0  }
0x199: {  	s23 =	rddreg [dreg:$0xc];
	[sflag:s16] =	ssyncadd.s32 $0xFFFFC000  }
0x19a: {  	[hbm4b:s23+s3] =	stream.linear.scatter [tilespmem:s0], [sflag:$0x7], $0x4000, $0x38;
	[tilespmem:$0x19000] =	vst v63  }
0x19b: {  	_ =	swait.ge [sflag:s4], $0x4000  }
0x19c: {  	[sflag:s4] =	ssyncset.done $0x0  }
0x19d: {  	s18 =	rddreg [dreg:$0xd];
	[sflag:s4] =	ssyncadd.s32 $0xFFFFC000  }
0x19e: {  	[hbm4b:s18+s3] =	stream.linear.scatter [tilespmem:s1], [sflag:$0x8], $0x4000, $0x38;
	[tilespmem:$0x19000] =	vst v63  }
0x19f: {  	_ =	swait.ge [sflag:s21], $0x4000  }
0x1a0: {  	[sflag:s21] =	ssyncset.done $0x0  }
0x1a1: {  	[sflag:s21] =	ssyncadd.s32 $0xFFFFC000  }
0x1a2: {  	_ =	swait.ge [sflag:s22], $0x4000  }
0x1a3: {  	[sflag:s22] =	ssyncset.done $0x0  }
0x1a4: {  	[sflag:s22] =	ssyncadd.s32 $0xFFFFC000  }
0x1a5: {  	_ =	swait.ge [sflag:s12], $0x4000  }
0x1a6: {  	[sflag:s12] =	ssyncset.done $0x0  }
0x1a7: {  	[sflag:s12] =	ssyncadd.s32 $0xFFFFC000  }
0x1a8: {  	_ =	swait.ge [sflag:s13], $0x4000  }
0x1a9: {  	[sflag:s13] =	ssyncset.done $0x0  }
0x1aa: {  	[sflag:s13] =	ssyncadd.s32 $0xFFFFC000  }
0x1ab: {  	_ =	swait.ge [sflag:s14], $0x4000  }
0x1ac: {  	[sflag:s14] =	ssyncset.done $0x0  }
0x1ad: {  	[sflag:s14] =	ssyncadd.s32 $0xFFFFC000  }
0x1ae: {  	_ =	swait.ge [sflag:s15], $0x4000  }
0x1af: {  	s20 =	rddreg [dreg:$0xf]  }
0x1b0: {  	s23 =	rddreg [dreg:$0xe];
	s0 =	sadd.s32 $0x1, s20  }
0x1b1: {  	p0 =	sne.s32 s0, s23  }
.Ltmp1:
0x1b2: {  	_ = 	snop;
	(pc) =	sbr.rel @p0 .LBB2_1-.Ltmp1, $4  }
0x1b3: {  	s29 =	simm.s32 $0xA000;
	s28 =	simm.s32 $0xC800;
	s30 =	simm.s32 $0xD800  }
0x1b4: {  	s31 =	simm.s32 $0xE000;
	s1 =	simm.s32 $0xA800;
	[sflag:s15] =	ssyncset.done $0x0  }
0x1b5: {  	s18 =	simm.s32 $0xB800;
	[sflag:s15] =	ssyncadd.s32 $0xFFFFC000;
	s20 =	simm.s32 $0xB000  }
0x1b6: {  	[dreg:$0xf] =	wrdreg s0;
	s0 =	simm.s32 $0x9800;
	s23 =	simm.s32 $0xC000  }
0x1b7: {  	_ =	sfence.sel $0x180000  }
0x1b8: {  	[bflag:$0x0] =	sbarrier.arrive $0xFFFF  }
0x1b9: {  	_ =	strace $0x90000047  }
0x1ba: {  	s0 =	stileid.u32;
	[bflag:$0x2] =	sbarrier.arrive $0xFFFF  }
0x1bb: {  	p0 =	sne.s32 s0, $0x0;
	s0 =	rddreg [dreg:$0x3]  }
0x1bc: {  	s0 =	sadd.s32 @!p0 $0x100000, s0  }
0x1bd: {  	[sflag:s0] =	ssyncadd.tile.s32 @!p0 $0x1;
	_ =	shalt  }
.Lfunc_end2:
_tile_overlayer_lowered:
.L_overlay_start_2:
0x1be: {  	(tag) =	ssettag $0x2  }
0x1bf: {  	s0 =	rddreg [dreg:$0x0];
	s2 =	stileid.u32  }
0x1c0: {  	s1 =	rddreg [dreg:$0x1];
	p0 =	sne.s32 s2, $0x0  }
0x1c1: {  	s3 =	rddreg [dreg:$0x2];
	[bflag:$0x3] =	sbarrier.arrive $0xFFFF;
	s2 =	simm.s32 @!p0 $0x1C0D  }
0x1c2: {  	[timem:s3], [sflag:s2] =	dma.local @!p0 [hbm:s0], s1  }
0x1c3: {  	s0 =	simm.s32 @!p0 $0xD  }
0x1c4: {  	_ =	swait.ge @!p0 [sflag:s0], s1  }
0x1c5: {  	s1 =	ssub.s32 @!p0 $0x0, s1;
	[sflag:s0] =	ssyncset.done @!p0 $0x0  }
0x1c6: {  	[sflag:s0] =	ssyncadd.s32 @!p0 s1  }
0x1c7: {  	[bflag:$0x3] =	sbarrier.arrive $0xFFFF  }
0x1c8: {  	_ =	shalt  }

</sc_bundles>
